<compile_context>
chip_gen: v7x
topology: tpu7x:2x2x1
jax: 0.10.2.dev20260603
libtpu: 0.0.44.dev20260713+nightly
codegen_flags: <defaults>
</compile_context>

<pallas_src>
import jax
import jax.numpy as jnp
from jax import lax
from jax.experimental import pallas as pl
from jax.experimental.pallas import tpu as pltpu
from jax.experimental.pallas import tpu_sc as plsc

B, L = 1024, 120
V, D = 100000, 50
P, PD = 512, 5
WD = 128
PDW = 8
PC1 = 56
PC2 = 64
N = B * L
NC, NS = 2, 16
NW = NC * NS
PER_W = N // NW
CHUNK = 640
NCHUNK = PER_W // CHUNK
EPW = B // NW
LANES = 16

GD = 55
K = 32
R = K * L


def _sc_gather_body(table, widx, hidx, tidx, ptab1, ptab2, p1idx, p2idx,
                    we_out, he_out, te_out,
                    idx_v, rows_v, eidx_v, erows_v,
                    t1_v, t2_v, q1_v, q2_v, sem):
  wid = lax.axis_index("s") * NC + lax.axis_index("c")
  base = wid * PER_W
  pltpu.sync_copy(ptab1, t1_v)
  pltpu.sync_copy(ptab2, t2_v)
  lane = lax.broadcasted_iota(jnp.int32, (LANES,), 0)
  def chunk_body(c, carry):
    off = base + c * CHUNK
    pltpu.sync_copy(widx.at[pl.ds(off, CHUNK)], idx_v)
    pltpu.sync_copy(p1idx.at[pl.ds(off, CHUNK)], q1_v)
    pltpu.sync_copy(p2idx.at[pl.ds(off, CHUNK)], q2_v)
    pltpu.async_copy(table.at[idx_v], rows_v, sem).wait()

    def splice(j, carry2):
      tok = j * LANES + lane
      r1 = q1_v[pl.ds(j * LANES, LANES)]
      r2 = q2_v[pl.ds(j * LANES, LANES)]
      a1 = lax.shift_right_logical(r1, 4)
      b1 = lax.shift_left(jnp.bitwise_and(r1, 15), 3)
      a2 = lax.shift_right_logical(r2, 4)
      b2 = lax.shift_left(jnp.bitwise_and(r2, 15), 3)
      for col in range(PDW):
        colv = jnp.full((LANES,), col, jnp.int32)
        v1 = plsc.load_gather(t1_v, [a1, b1 + colv])
        plsc.store_scatter(rows_v, [tok, colv + PC1], v1)
        v2 = plsc.load_gather(t2_v, [a2, b2 + colv])
        plsc.store_scatter(rows_v, [tok, colv + PC2], v2)
      return carry2

    lax.fori_loop(0, CHUNK // LANES, splice, 0)
    pltpu.sync_copy(rows_v, we_out.at[pl.ds(off, CHUNK)])
    return carry

  lax.fori_loop(0, NCHUNK, chunk_body, 0)
  ebase = wid * EPW
  pltpu.sync_copy(hidx.at[pl.ds(ebase, EPW)], eidx_v)
  pltpu.async_copy(table.at[eidx_v], erows_v, sem).wait()
  pltpu.sync_copy(erows_v, he_out.at[pl.ds(ebase, EPW)])
  pltpu.sync_copy(tidx.at[pl.ds(ebase, EPW)], eidx_v)
  pltpu.async_copy(table.at[eidx_v], erows_v, sem).wait()
  pltpu.sync_copy(erows_v, te_out.at[pl.ds(ebase, EPW)])


def _make_sc_gather():
  mesh = plsc.VectorSubcoreMesh(core_axis_name="c", subcore_axis_name="s",
                                num_cores=NC, num_subcores=NS)
  return pl.kernel(
      _sc_gather_body,
      out_type=[jax.ShapeDtypeStruct((N, WD), jnp.float32),
                jax.ShapeDtypeStruct((B, WD), jnp.float32),
                jax.ShapeDtypeStruct((B, WD), jnp.float32)],
      mesh=mesh,
      scratch_types=[pltpu.VMEM((CHUNK,), jnp.int32),
                     pltpu.VMEM((CHUNK, WD), jnp.float32),
                     pltpu.VMEM((EPW,), jnp.int32),
                     pltpu.VMEM((EPW, WD), jnp.float32),
                     pltpu.VMEM((P * PDW // 128, 128), jnp.float32),
                     pltpu.VMEM((P * PDW // 128, 128), jnp.float32),
                     pltpu.VMEM((CHUNK,), jnp.int32),
                     pltpu.VMEM((CHUNK,), jnp.int32),
                     pltpu.SemaphoreType.DMA],
      compiler_params=pltpu.CompilerParams(use_tc_tiling_on_sc=True,
                                           needs_layout_passes=False),
  )


def _dense_body(we_ref, he_ref, te_ref, wa_ref, wb_ref, w3_ref, bs_ref,
                out_ref):
  blk = we_ref[...]
  we = blk[:, 0:D]
  p1r = blk[:, PC1:PC1 + PDW]
  p2r = blk[:, PC2:PC2 + PDW]
  he = he_ref[...][:, 0:D]
  te = te_ref[...][:, 0:D]
  wl = lax.dot_general(we, wa_ref[...], (((1,), (1,)), ((), ())),
                       preferred_element_type=jnp.float32)
  p1l = lax.dot_general(p1r, w3_ref[...], (((1,), (1,)), ((), ())),
                        preferred_element_type=jnp.float32)
  hl = lax.dot_general(he, wb_ref[...], (((1,), (1,)), ((), ())),
                       preferred_element_type=jnp.float32)
  hl = hl + bs_ref[...]
  hlb = jnp.broadcast_to(hl[:, None, :], (K, L, GD)).reshape(R, GD)
  a = 1.0 / (1.0 + jnp.exp(-(wl + p1l + hlb)))
  amid = a[:, 0:D]
  ahi = a[:, D:GD]
  heb = jnp.broadcast_to(he[:, None, :], (K, L, D)).reshape(R, D)
  teb = jnp.broadcast_to(te[:, None, :], (K, L, D)).reshape(R, D)
  mid = teb + amid * (heb - teb)
  p1v = p1r[:, 0:PD]
  p2v = p2r[:, 0:PD]
  hi = p2v + ahi * (p1v - p2v)
  out = jnp.concatenate([we, mid, hi], axis=1)
  out_ref[...] = out.reshape(K, L, 105)


def _make_tc_dense():
  return pl.pallas_call(
      _dense_body,
      grid=(B // K,),
      in_specs=[
          pl.BlockSpec((R, WD), lambda i: (i, 0)),
          pl.BlockSpec((K, WD), lambda i: (i, 0)),
          pl.BlockSpec((K, WD), lambda i: (i, 0)),
          pl.BlockSpec((GD, D), lambda i: (0, 0)),
          pl.BlockSpec((GD, D), lambda i: (0, 0)),
          pl.BlockSpec((GD, PDW), lambda i: (0, 0)),
          pl.BlockSpec((K, GD), lambda i: (0, 0)),
      ],
      out_specs=pl.BlockSpec((K, L, 105), lambda i: (i, 0, 0)),
      out_shape=jax.ShapeDtypeStruct((B, L, 105), jnp.float32),
  )


def kernel(word_table, pos1_table, pos2_table, W, b, word,
           h_entity_word, t_entity_word, pos1, pos2):
  widx = word.reshape(N).astype(jnp.int32)
  hidx = h_entity_word.reshape(B).astype(jnp.int32)
  tidx = t_entity_word.reshape(B).astype(jnp.int32)
  p1idx = pos1.reshape(N).astype(jnp.int32)
  p2idx = pos2.reshape(N).astype(jnp.int32)
  wt = jnp.pad(word_table, ((0, 0), (0, WD - D)))
  ptab1 = jnp.pad(pos1_table, ((0, 0), (0, PDW - PD))).reshape(P * PDW // 128, 128)
  ptab2 = jnp.pad(pos2_table, ((0, 0), (0, PDW - PD))).reshape(P * PDW // 128, 128)
  we, he, te = _make_sc_gather()(wt, widx, hidx, tidx,
                                 ptab1, ptab2, p1idx, p2idx)
  wa = W[50:105, 0:50]
  wb = W[50:105, 50:100]
  w3 = jnp.pad(W[50:105, 100:105], ((0, 0), (0, PDW - PD)))
  bs = jnp.broadcast_to(b[50:105], (K, GD))
  return _make_tc_dense()(we, he, te, wa, wb, w3, bs)

# --- scband reference (transcript-rebuilt; emitter-appended) ---
"""Pipeline reference for scband-embedding-81363860455603 (READ-ONLY COPY).

The authoritative reference and input builder live on the scoring server;
editing this copy changes nothing except your own understanding.
"""

import jax, jax.numpy as jnp
import numpy as np


def setup_inputs(seed: int = 0) -> dict:
    key = jax.random.key(seed)
    ks = jax.random.split(key, 10)
    B, L = 1024, 120
    V, D = 100000, 50
    P, PD = 512, 5
    word = jax.random.randint(ks[0], (B, L), 0, V)
    h_entity_word = jax.random.randint(ks[1], (B, 1), 0, V)
    t_entity_word = jax.random.randint(ks[2], (B, 1), 0, V)
    pos1 = jax.random.randint(ks[3], (B, L), 0, P)
    pos2 = jax.random.randint(ks[4], (B, L), 0, P)
    word_table = jax.random.normal(ks[5], (V, D), dtype=jnp.float32)
    pos1_table = jax.random.normal(ks[6], (P, PD), dtype=jnp.float32).at[0].set(0.0)
    pos2_table = jax.random.normal(ks[7], (P, PD), dtype=jnp.float32).at[0].set(0.0)
    W = jax.random.normal(ks[8], (105, 105), dtype=jnp.float32) * 0.1
    b = jnp.zeros((105,), dtype=jnp.float32)
    return {"word_table": word_table, "pos1_table": pos1_table, "pos2_table": pos2_table,
            "W": W, "b": b, "word": word, "h_entity_word": h_entity_word,
            "t_entity_word": t_entity_word, "pos1": pos1, "pos2": pos2}


def reference(word_table, pos1_table, pos2_table, W, b, word, h_entity_word, t_entity_word, pos1, pos2):
    B, L = word.shape
    we = jnp.take(word_table, word, axis=0)            # [B, L, 50]
    he = jnp.take(word_table, h_entity_word, axis=0)   # [B, 1, 50]
    te = jnp.take(word_table, t_entity_word, axis=0)   # [B, 1, 50]
    he = jnp.broadcast_to(he, (B, L, he.shape[-1]))    # expand(-1, 120, 50)
    te = jnp.broadcast_to(te, (B, L, te.shape[-1]))
    p1 = jnp.take(pos1_table, pos1, axis=0)            # [B, L, 5]
    p2 = jnp.take(pos2_table, pos2, axis=0)
    emb_h = jnp.concatenate([we, he, p1], axis=2)      # [B, L, 105]
    emb_t = jnp.concatenate([we, te, p2], axis=2)
    a1 = jax.nn.sigmoid(emb_h @ W.T + b)
    a2 = 1.0 - a1
    return emb_h * a1 + emb_t * a2

if __name__ == "__main__":
    import jax
    _d = setup_inputs()
    print(jax.jit(kernel)(*tuple(_d.values())))

</pallas_src>

<mosaic_0001>
#map = affine_map<(d0, d1) -> (0, 0)>
#map1 = affine_map<(d0, d1) -> (0)>
module attributes {stable_mosaic.version = 14 : i64} {
  func.func @_sc_gather_body(%arg0: i32, %arg1: i32, %arg2: memref<100000x128xf32, #tpu.memory_space<hbm>>, %arg3: memref<122880xi32, #tpu.memory_space<hbm>>, %arg4: memref<1024xi32, #tpu.memory_space<hbm>>, %arg5: memref<1024xi32, #tpu.memory_space<hbm>>, %arg6: memref<32x128xf32, #tpu.memory_space<hbm>>, %arg7: memref<32x128xf32, #tpu.memory_space<hbm>>, %arg8: memref<122880xi32, #tpu.memory_space<hbm>>, %arg9: memref<122880xi32, #tpu.memory_space<hbm>>, %arg10: memref<122880x128xf32, #tpu.memory_space<hbm>>, %arg11: memref<1024x128xf32, #tpu.memory_space<hbm>>, %arg12: memref<1024x128xf32, #tpu.memory_space<hbm>>, %arg13: memref<640xi32, #tpu.memory_space<vmem>>, %arg14: memref<640x128xf32, #tpu.memory_space<vmem>>, %arg15: memref<32xi32, #tpu.memory_space<vmem>>, %arg16: memref<32x128xf32, #tpu.memory_space<vmem>>, %arg17: memref<32x128xf32, #tpu.memory_space<vmem>>, %arg18: memref<32x128xf32, #tpu.memory_space<vmem>>, %arg19: memref<640xi32, #tpu.memory_space<vmem>>, %arg20: memref<640xi32, #tpu.memory_space<vmem>>, %arg21: memref<!tpu.dma_semaphore, #tpu.memory_space<semaphore_mem>>) attributes {dimension_semantics = [#tpu.dimension_semantics<core_parallel>, #tpu.dimension_semantics<subcore_parallel>], iteration_bounds = array<i64: 2, 16>, scalar_prefetch = 0 : i64, scratch_operands = 9 : i64, tpu.core_type = #tpu.core_type<sc_vector_subcore>, window_params = [{transform_indices = #map}, {transform_indices = #map1}, {transform_indices = #map1}, {transform_indices = #map1}, {transform_indices = #map}, {transform_indices = #map}, {transform_indices = #map1}, {transform_indices = #map1}, {transform_indices = #map}, {transform_indices = #map}, {transform_indices = #map}]} {
    %mul3A = arith.constant 2 : i32
    %mul3A_0 = arith.muli %arg1, %mul3A : i32
    %add3A = arith.addi %mul3A_0, %arg0 : i32
    %mul3A_1 = arith.constant 3840 : i32
    %mul3A_2 = arith.muli %add3A, %mul3A_1 : i32
    "tpu.region"() ({
      %run_scoped3A = tpu.sem_alloc : memref<!tpu.dma_semaphore, #tpu.memory_space<semaphore_mem>>
      tpu.enqueue_dma source(%arg6 : memref<32x128xf32, #tpu.memory_space<hbm>>) target(%arg17 : memref<32x128xf32, #tpu.memory_space<vmem>>) target_semaphore(%run_scoped3A : memref<!tpu.dma_semaphore, #tpu.memory_space<semaphore_mem>>)
      tpu.wait_dma2 semaphore(%run_scoped3A : memref<!tpu.dma_semaphore, #tpu.memory_space<semaphore_mem>>) src(%arg6 : memref<32x128xf32, #tpu.memory_space<hbm>>) dst(%arg17 : memref<32x128xf32, #tpu.memory_space<vmem>>)
      tpu.yield
    }) : () -> ()
    "tpu.region"() ({
      %run_scoped3A = tpu.sem_alloc : memref<!tpu.dma_semaphore, #tpu.memory_space<semaphore_mem>>
      tpu.enqueue_dma source(%arg7 : memref<32x128xf32, #tpu.memory_space<hbm>>) target(%arg18 : memref<32x128xf32, #tpu.memory_space<vmem>>) target_semaphore(%run_scoped3A : memref<!tpu.dma_semaphore, #tpu.memory_space<semaphore_mem>>)
      tpu.wait_dma2 semaphore(%run_scoped3A : memref<!tpu.dma_semaphore, #tpu.memory_space<semaphore_mem>>) src(%arg7 : memref<32x128xf32, #tpu.memory_space<hbm>>) dst(%arg18 : memref<32x128xf32, #tpu.memory_space<vmem>>)
      tpu.yield
    }) : () -> ()
    %iota3A = tpu.iota {dimensions = array<i32: 0>} : vector<16xi32>
    %scan3A = arith.constant 0 : i32
    %scan3A_3 = arith.constant 0 : i32
    %scan3A_4 = arith.constant 6 : i32
    %scan3A_5 = arith.addi %scan3A_3, %scan3A_4 : i32
    %scan3A_6 = arith.constant 1 : i32
    scf.for %scan3A_20 = %scan3A_3 to %scan3A_5 step %scan3A_6  : i32 {
      %mul3A_21 = arith.constant 640 : i32
      %mul3A_22 = arith.muli %scan3A_20, %mul3A_21 : i32
      %add3A_23 = arith.addi %mul3A_2, %mul3A_22 : i32
      "tpu.region"() ({
        %run_scoped3A = tpu.sem_alloc : memref<!tpu.dma_semaphore, #tpu.memory_space<semaphore_mem>>
        %dma_start3A_36 = tpu.memref_slice %arg3[%add3A_23] : memref<122880xi32, #tpu.memory_space<hbm>> -> memref<640xi32, #tpu.memory_space<hbm>>
        %dma_start3A_37 = tpu.memref_slice %arg3[%add3A_23] : memref<122880xi32, #tpu.memory_space<hbm>> -> memref<640xi32, #tpu.memory_space<hbm>>
        tpu.enqueue_dma source(%dma_start3A_37 : memref<640xi32, #tpu.memory_space<hbm>>) target(%arg13 : memref<640xi32, #tpu.memory_space<vmem>>) target_semaphore(%run_scoped3A : memref<!tpu.dma_semaphore, #tpu.memory_space<semaphore_mem>>)
        %dma_wait3A_38 = tpu.memref_slice %arg3[%add3A_23] : memref<122880xi32, #tpu.memory_space<hbm>> -> memref<640xi32, #tpu.memory_space<hbm>>
        %dma_wait3A_39 = tpu.memref_slice %arg3[%add3A_23] : memref<122880xi32, #tpu.memory_space<hbm>> -> memref<640xi32, #tpu.memory_space<hbm>>
        tpu.wait_dma2 semaphore(%run_scoped3A : memref<!tpu.dma_semaphore, #tpu.memory_space<semaphore_mem>>) src(%dma_wait3A_39 : memref<640xi32, #tpu.memory_space<hbm>>) dst(%arg13 : memref<640xi32, #tpu.memory_space<vmem>>)
        tpu.yield
      }) : () -> ()
      "tpu.region"() ({
        %run_scoped3A = tpu.sem_alloc : memref<!tpu.dma_semaphore, #tpu.memory_space<semaphore_mem>>
        %dma_start3A_36 = tpu.memref_slice %arg8[%add3A_23] : memref<122880xi32, #tpu.memory_space<hbm>> -> memref<640xi32, #tpu.memory_space<hbm>>
        %dma_start3A_37 = tpu.memref_slice %arg8[%add3A_23] : memref<122880xi32, #tpu.memory_space<hbm>> -> memref<640xi32, #tpu.memory_space<hbm>>
        tpu.enqueue_dma source(%dma_start3A_37 : memref<640xi32, #tpu.memory_space<hbm>>) target(%arg19 : memref<640xi32, #tpu.memory_space<vmem>>) target_semaphore(%run_scoped3A : memref<!tpu.dma_semaphore, #tpu.memory_space<semaphore_mem>>)
        %dma_wait3A_38 = tpu.memref_slice %arg8[%add3A_23] : memref<122880xi32, #tpu.memory_space<hbm>> -> memref<640xi32, #tpu.memory_space<hbm>>
        %dma_wait3A_39 = tpu.memref_slice %arg8[%add3A_23] : memref<122880xi32, #tpu.memory_space<hbm>> -> memref<640xi32, #tpu.memory_space<hbm>>
        tpu.wait_dma2 semaphore(%run_scoped3A : memref<!tpu.dma_semaphore, #tpu.memory_space<semaphore_mem>>) src(%dma_wait3A_39 : memref<640xi32, #tpu.memory_space<hbm>>) dst(%arg19 : memref<640xi32, #tpu.memory_space<vmem>>)
        tpu.yield
      }) : () -> ()
      "tpu.region"() ({
        %run_scoped3A = tpu.sem_alloc : memref<!tpu.dma_semaphore, #tpu.memory_space<semaphore_mem>>
        %dma_start3A_36 = tpu.memref_slice %arg9[%add3A_23] : memref<122880xi32, #tpu.memory_space<hbm>> -> memref<640xi32, #tpu.memory_space<hbm>>
        %dma_start3A_37 = tpu.memref_slice %arg9[%add3A_23] : memref<122880xi32, #tpu.memory_space<hbm>> -> memref<640xi32, #tpu.memory_space<hbm>>
        tpu.enqueue_dma source(%dma_start3A_37 : memref<640xi32, #tpu.memory_space<hbm>>) target(%arg20 : memref<640xi32, #tpu.memory_space<vmem>>) target_semaphore(%run_scoped3A : memref<!tpu.dma_semaphore, #tpu.memory_space<semaphore_mem>>)
        %dma_wait3A_38 = tpu.memref_slice %arg9[%add3A_23] : memref<122880xi32, #tpu.memory_space<hbm>> -> memref<640xi32, #tpu.memory_space<hbm>>
        %dma_wait3A_39 = tpu.memref_slice %arg9[%add3A_23] : memref<122880xi32, #tpu.memory_space<hbm>> -> memref<640xi32, #tpu.memory_space<hbm>>
        tpu.wait_dma2 semaphore(%run_scoped3A : memref<!tpu.dma_semaphore, #tpu.memory_space<semaphore_mem>>) src(%dma_wait3A_39 : memref<640xi32, #tpu.memory_space<hbm>>) dst(%arg20 : memref<640xi32, #tpu.memory_space<vmem>>)
        tpu.yield
      }) : () -> ()
      %dma_start3A_24 = arith.constant 0 : i32
      %dma_start3A_25 = arith.constant 0 : i32
      %dma_start3A_26 = tpu.memref_slice %arg2[%dma_start3A_24, %dma_start3A_25] : memref<100000x128xf32, #tpu.memory_space<hbm>> -> memref<100000x128xf32, #tpu.memory_space<hbm>>
      tpu.enqueue_indirect_dma source(%dma_start3A_26 : memref<100000x128xf32, #tpu.memory_space<hbm>>) target(%arg14 : memref<640x128xf32, #tpu.memory_space<vmem>>) offsets(%arg13 : memref<640xi32, #tpu.memory_space<vmem>>) semaphore(%arg21 : memref<!tpu.dma_semaphore, #tpu.memory_space<semaphore_mem>>)
      %dma_wait3A_27 = arith.constant 0 : i32
      %dma_wait3A_28 = arith.constant 0 : i32
      %dma_wait3A_29 = tpu.memref_slice %arg2[%dma_wait3A_27, %dma_wait3A_28] : memref<100000x128xf32, #tpu.memory_space<hbm>> -> memref<100000x128xf32, #tpu.memory_space<hbm>>
      tpu.wait_indirect_dma semaphore(%arg21 : memref<!tpu.dma_semaphore, #tpu.memory_space<semaphore_mem>>) src(%dma_wait3A_29 : memref<100000x128xf32, #tpu.memory_space<hbm>>) dst(%arg14 : memref<640x128xf32, #tpu.memory_space<vmem>>)
      %scan3A_30 = arith.constant 0 : i32
      %scan3A_31 = arith.constant 0 : i32
      %scan3A_32 = arith.constant 40 : i32
      %scan3A_33 = arith.addi %scan3A_31, %scan3A_32 : i32
      %scan3A_34 = arith.constant 1 : i32
      scf.for %scan3A_36 = %scan3A_31 to %scan3A_33 step %scan3A_34  : i32 {
        %mul3A_37 = arith.constant 16 : i32
        %mul3A_38 = arith.muli %scan3A_36, %mul3A_37 : i32
        %add3A_39 = vector.broadcast %mul3A_38 : i32 to vector<16xi32>
        %add3A_40 = arith.addi %add3A_39, %iota3A : vector<16xi32>
        %mul3A_41 = arith.constant 16 : i32
        %mul3A_42 = arith.muli %scan3A_36, %mul3A_41 : i32
        %get3A = arith.index_cast %mul3A_42 : i32 to index
        %get3A_43 = tpu.vector_load %arg19[%get3A] {strides = array<i32>} : memref<640xi32, #tpu.memory_space<vmem>>, vector<16xi32>,
        %mul3A_44 = arith.constant 16 : i32
        %mul3A_45 = arith.muli %scan3A_36, %mul3A_44 : i32
        %get3A_46 = arith.index_cast %mul3A_45 : i32 to index
        %get3A_47 = tpu.vector_load %arg20[%get3A_46] {strides = array<i32>} : memref<640xi32, #tpu.memory_space<vmem>>, vector<16xi32>,
        %shift_right_logical3A = arith.constant 4 : i32
        %shift_right_logical3A_48 = vector.broadcast %shift_right_logical3A : i32 to vector<16xi32>
        %shift_right_logical3A_49 = arith.shrui %get3A_43, %shift_right_logical3A_48 : vector<16xi32>
        %and3A = arith.constant 15 : i32
        %and3A_50 = vector.broadcast %and3A : i32 to vector<16xi32>
        %and3A_51 = arith.andi %get3A_43, %and3A_50 : vector<16xi32>
        %shift_left3A = arith.constant 3 : i32
        %shift_left3A_52 = vector.broadcast %shift_left3A : i32 to vector<16xi32>
        %shift_left3A_53 = arith.shli %and3A_51, %shift_left3A_52 : vector<16xi32>
        %shift_right_logical3A_54 = arith.constant 4 : i32
        %shift_right_logical3A_55 = vector.broadcast %shift_right_logical3A_54 : i32 to vector<16xi32>
        %shift_right_logical3A_56 = arith.shrui %get3A_47, %shift_right_logical3A_55 : vector<16xi32>
        %and3A_57 = arith.constant 15 : i32
        %and3A_58 = vector.broadcast %and3A_57 : i32 to vector<16xi32>
        %and3A_59 = arith.andi %get3A_47, %and3A_58 : vector<16xi32>
        %shift_left3A_60 = arith.constant 3 : i32
        %shift_left3A_61 = vector.broadcast %shift_left3A_60 : i32 to vector<16xi32>
        %shift_left3A_62 = arith.shli %and3A_59, %shift_left3A_61 : vector<16xi32>
        %broadcast_in_dim3A = arith.constant 0 : i32
        %broadcast_in_dim3A_63 = vector.broadcast %broadcast_in_dim3A : i32 to vector<16xi32>
        %add3A_64 = arith.addi %shift_left3A_53, %broadcast_in_dim3A_63 : vector<16xi32>
        %gather3A = tpu.vector_load_idx %arg17[%shift_right_logical3A_49, %add3A_64] : memref<32x128xf32, #tpu.memory_space<vmem>>[vector<16xi32>, vector<16xi32>], vector<16xf32>,
        %add3A_65 = arith.constant 56 : i32
        %add3A_66 = vector.broadcast %add3A_65 : i32 to vector<16xi32>
        %add3A_67 = arith.addi %broadcast_in_dim3A_63, %add3A_66 : vector<16xi32>
        tpu.vector_store_idx %arg14[%add3A_40, %add3A_67], %gather3A : memref<640x128xf32, #tpu.memory_space<vmem>>[vector<16xi32>, vector<16xi32>], vector<16xf32>,
        %add3A_68 = arith.addi %shift_left3A_62, %broadcast_in_dim3A_63 : vector<16xi32>
        %gather3A_69 = tpu.vector_load_idx %arg18[%shift_right_logical3A_56, %add3A_68] : memref<32x128xf32, #tpu.memory_space<vmem>>[vector<16xi32>, vector<16xi32>], vector<16xf32>,
        %add3A_70 = arith.constant 64 : i32
        %add3A_71 = vector.broadcast %add3A_70 : i32 to vector<16xi32>
        %add3A_72 = arith.addi %broadcast_in_dim3A_63, %add3A_71 : vector<16xi32>
        tpu.vector_store_idx %arg14[%add3A_40, %add3A_72], %gather3A_69 : memref<640x128xf32, #tpu.memory_space<vmem>>[vector<16xi32>, vector<16xi32>], vector<16xf32>,
        %broadcast_in_dim3A_73 = arith.constant 1 : i32
        %broadcast_in_dim3A_74 = vector.broadcast %broadcast_in_dim3A_73 : i32 to vector<16xi32>
        %add3A_75 = arith.addi %shift_left3A_53, %broadcast_in_dim3A_74 : vector<16xi32>
        %gather3A_76 = tpu.vector_load_idx %arg17[%shift_right_logical3A_49, %add3A_75] : memref<32x128xf32, #tpu.memory_space<vmem>>[vector<16xi32>, vector<16xi32>], vector<16xf32>,
        %add3A_77 = arith.constant 56 : i32
        %add3A_78 = vector.broadcast %add3A_77 : i32 to vector<16xi32>
        %add3A_79 = arith.addi %broadcast_in_dim3A_74, %add3A_78 : vector<16xi32>
        tpu.vector_store_idx %arg14[%add3A_40, %add3A_79], %gather3A_76 : memref<640x128xf32, #tpu.memory_space<vmem>>[vector<16xi32>, vector<16xi32>], vector<16xf32>,
        %add3A_80 = arith.addi %shift_left3A_62, %broadcast_in_dim3A_74 : vector<16xi32>
        %gather3A_81 = tpu.vector_load_idx %arg18[%shift_right_logical3A_56, %add3A_80] : memref<32x128xf32, #tpu.memory_space<vmem>>[vector<16xi32>, vector<16xi32>], vector<16xf32>,
        %add3A_82 = arith.constant 64 : i32
        %add3A_83 = vector.broadcast %add3A_82 : i32 to vector<16xi32>
        %add3A_84 = arith.addi %broadcast_in_dim3A_74, %add3A_83 : vector<16xi32>
        tpu.vector_store_idx %arg14[%add3A_40, %add3A_84], %gather3A_81 : memref<640x128xf32, #tpu.memory_space<vmem>>[vector<16xi32>, vector<16xi32>], vector<16xf32>,
        %broadcast_in_dim3A_85 = arith.constant 2 : i32
        %broadcast_in_dim3A_86 = vector.broadcast %broadcast_in_dim3A_85 : i32 to vector<16xi32>
        %add3A_87 = arith.addi %shift_left3A_53, %broadcast_in_dim3A_86 : vector<16xi32>
        %gather3A_88 = tpu.vector_load_idx %arg17[%shift_right_logical3A_49, %add3A_87] : memref<32x128xf32, #tpu.memory_space<vmem>>[vector<16xi32>, vector<16xi32>], vector<16xf32>,
        %add3A_89 = arith.constant 56 : i32
        %add3A_90 = vector.broadcast %add3A_89 : i32 to vector<16xi32>
        %add3A_91 = arith.addi %broadcast_in_dim3A_86, %add3A_90 : vector<16xi32>
        tpu.vector_store_idx %arg14[%add3A_40, %add3A_91], %gather3A_88 : memref<640x128xf32, #tpu.memory_space<vmem>>[vector<16xi32>, vector<16xi32>], vector<16xf32>,
        %add3A_92 = arith.addi %shift_left3A_62, %broadcast_in_dim3A_86 : vector<16xi32>
        %gather3A_93 = tpu.vector_load_idx %arg18[%shift_right_logical3A_56, %add3A_92] : memref<32x128xf32, #tpu.memory_space<vmem>>[vector<16xi32>, vector<16xi32>], vector<16xf32>,
        %add3A_94 = arith.constant 64 : i32
        %add3A_95 = vector.broadcast %add3A_94 : i32 to vector<16xi32>
        %add3A_96 = arith.addi %broadcast_in_dim3A_86, %add3A_95 : vector<16xi32>
        tpu.vector_store_idx %arg14[%add3A_40, %add3A_96], %gather3A_93 : memref<640x128xf32, #tpu.memory_space<vmem>>[vector<16xi32>, vector<16xi32>], vector<16xf32>,
        %broadcast_in_dim3A_97 = arith.constant 3 : i32
        %broadcast_in_dim3A_98 = vector.broadcast %broadcast_in_dim3A_97 : i32 to vector<16xi32>
        %add3A_99 = arith.addi %shift_left3A_53, %broadcast_in_dim3A_98 : vector<16xi32>
        %gather3A_100 = tpu.vector_load_idx %arg17[%shift_right_logical3A_49, %add3A_99] : memref<32x128xf32, #tpu.memory_space<vmem>>[vector<16xi32>, vector<16xi32>], vector<16xf32>,
        %add3A_101 = arith.constant 56 : i32
        %add3A_102 = vector.broadcast %add3A_101 : i32 to vector<16xi32>
        %add3A_103 = arith.addi %broadcast_in_dim3A_98, %add3A_102 : vector<16xi32>
        tpu.vector_store_idx %arg14[%add3A_40, %add3A_103], %gather3A_100 : memref<640x128xf32, #tpu.memory_space<vmem>>[vector<16xi32>, vector<16xi32>], vector<16xf32>,
        %add3A_104 = arith.addi %shift_left3A_62, %broadcast_in_dim3A_98 : vector<16xi32>
        %gather3A_105 = tpu.vector_load_idx %arg18[%shift_right_logical3A_56, %add3A_104] : memref<32x128xf32, #tpu.memory_space<vmem>>[vector<16xi32>, vector<16xi32>], vector<16xf32>,
        %add3A_106 = arith.constant 64 : i32
        %add3A_107 = vector.broadcast %add3A_106 : i32 to vector<16xi32>
        %add3A_108 = arith.addi %broadcast_in_dim3A_98, %add3A_107 : vector<16xi32>
        tpu.vector_store_idx %arg14[%add3A_40, %add3A_108], %gather3A_105 : memref<640x128xf32, #tpu.memory_space<vmem>>[vector<16xi32>, vector<16xi32>], vector<16xf32>,
        %broadcast_in_dim3A_109 = arith.constant 4 : i32
        %broadcast_in_dim3A_110 = vector.broadcast %broadcast_in_dim3A_109 : i32 to vector<16xi32>
        %add3A_111 = arith.addi %shift_left3A_53, %broadcast_in_dim3A_110 : vector<16xi32>
        %gather3A_112 = tpu.vector_load_idx %arg17[%shift_right_logical3A_49, %add3A_111] : memref<32x128xf32, #tpu.memory_space<vmem>>[vector<16xi32>, vector<16xi32>], vector<16xf32>,
        %add3A_113 = arith.constant 56 : i32
        %add3A_114 = vector.broadcast %add3A_113 : i32 to vector<16xi32>
        %add3A_115 = arith.addi %broadcast_in_dim3A_110, %add3A_114 : vector<16xi32>
        tpu.vector_store_idx %arg14[%add3A_40, %add3A_115], %gather3A_112 : memref<640x128xf32, #tpu.memory_space<vmem>>[vector<16xi32>, vector<16xi32>], vector<16xf32>,
        %add3A_116 = arith.addi %shift_left3A_62, %broadcast_in_dim3A_110 : vector<16xi32>
        %gather3A_117 = tpu.vector_load_idx %arg18[%shift_right_logical3A_56, %add3A_116] : memref<32x128xf32, #tpu.memory_space<vmem>>[vector<16xi32>, vector<16xi32>], vector<16xf32>,
        %add3A_118 = arith.constant 64 : i32
        %add3A_119 = vector.broadcast %add3A_118 : i32 to vector<16xi32>
        %add3A_120 = arith.addi %broadcast_in_dim3A_110, %add3A_119 : vector<16xi32>
        tpu.vector_store_idx %arg14[%add3A_40, %add3A_120], %gather3A_117 : memref<640x128xf32, #tpu.memory_space<vmem>>[vector<16xi32>, vector<16xi32>], vector<16xf32>,
        %broadcast_in_dim3A_121 = arith.constant 5 : i32
        %broadcast_in_dim3A_122 = vector.broadcast %broadcast_in_dim3A_121 : i32 to vector<16xi32>
        %add3A_123 = arith.addi %shift_left3A_53, %broadcast_in_dim3A_122 : vector<16xi32>
        %gather3A_124 = tpu.vector_load_idx %arg17[%shift_right_logical3A_49, %add3A_123] : memref<32x128xf32, #tpu.memory_space<vmem>>[vector<16xi32>, vector<16xi32>], vector<16xf32>,
        %add3A_125 = arith.constant 56 : i32
        %add3A_126 = vector.broadcast %add3A_125 : i32 to vector<16xi32>
        %add3A_127 = arith.addi %broadcast_in_dim3A_122, %add3A_126 : vector<16xi32>
        tpu.vector_store_idx %arg14[%add3A_40, %add3A_127], %gather3A_124 : memref<640x128xf32, #tpu.memory_space<vmem>>[vector<16xi32>, vector<16xi32>], vector<16xf32>,
        %add3A_128 = arith.addi %shift_left3A_62, %broadcast_in_dim3A_122 : vector<16xi32>
        %gather3A_129 = tpu.vector_load_idx %arg18[%shift_right_logical3A_56, %add3A_128] : memref<32x128xf32, #tpu.memory_space<vmem>>[vector<16xi32>, vector<16xi32>], vector<16xf32>,
        %add3A_130 = arith.constant 64 : i32
        %add3A_131 = vector.broadcast %add3A_130 : i32 to vector<16xi32>
        %add3A_132 = arith.addi %broadcast_in_dim3A_122, %add3A_131 : vector<16xi32>
        tpu.vector_store_idx %arg14[%add3A_40, %add3A_132], %gather3A_129 : memref<640x128xf32, #tpu.memory_space<vmem>>[vector<16xi32>, vector<16xi32>], vector<16xf32>,
        %broadcast_in_dim3A_133 = arith.constant 6 : i32
        %broadcast_in_dim3A_134 = vector.broadcast %broadcast_in_dim3A_133 : i32 to vector<16xi32>
        %add3A_135 = arith.addi %shift_left3A_53, %broadcast_in_dim3A_134 : vector<16xi32>
        %gather3A_136 = tpu.vector_load_idx %arg17[%shift_right_logical3A_49, %add3A_135] : memref<32x128xf32, #tpu.memory_space<vmem>>[vector<16xi32>, vector<16xi32>], vector<16xf32>,
        %add3A_137 = arith.constant 56 : i32
        %add3A_138 = vector.broadcast %add3A_137 : i32 to vector<16xi32>
        %add3A_139 = arith.addi %broadcast_in_dim3A_134, %add3A_138 : vector<16xi32>
        tpu.vector_store_idx %arg14[%add3A_40, %add3A_139], %gather3A_136 : memref<640x128xf32, #tpu.memory_space<vmem>>[vector<16xi32>, vector<16xi32>], vector<16xf32>,
        %add3A_140 = arith.addi %shift_left3A_62, %broadcast_in_dim3A_134 : vector<16xi32>
        %gather3A_141 = tpu.vector_load_idx %arg18[%shift_right_logical3A_56, %add3A_140] : memref<32x128xf32, #tpu.memory_space<vmem>>[vector<16xi32>, vector<16xi32>], vector<16xf32>,
        %add3A_142 = arith.constant 64 : i32
        %add3A_143 = vector.broadcast %add3A_142 : i32 to vector<16xi32>
        %add3A_144 = arith.addi %broadcast_in_dim3A_134, %add3A_143 : vector<16xi32>
        tpu.vector_store_idx %arg14[%add3A_40, %add3A_144], %gather3A_141 : memref<640x128xf32, #tpu.memory_space<vmem>>[vector<16xi32>, vector<16xi32>], vector<16xf32>,
        %broadcast_in_dim3A_145 = arith.constant 7 : i32
        %broadcast_in_dim3A_146 = vector.broadcast %broadcast_in_dim3A_145 : i32 to vector<16xi32>
        %add3A_147 = arith.addi %shift_left3A_53, %broadcast_in_dim3A_146 : vector<16xi32>
        %gather3A_148 = tpu.vector_load_idx %arg17[%shift_right_logical3A_49, %add3A_147] : memref<32x128xf32, #tpu.memory_space<vmem>>[vector<16xi32>, vector<16xi32>], vector<16xf32>,
        %add3A_149 = arith.constant 56 : i32
        %add3A_150 = vector.broadcast %add3A_149 : i32 to vector<16xi32>
        %add3A_151 = arith.addi %broadcast_in_dim3A_146, %add3A_150 : vector<16xi32>
        tpu.vector_store_idx %arg14[%add3A_40, %add3A_151], %gather3A_148 : memref<640x128xf32, #tpu.memory_space<vmem>>[vector<16xi32>, vector<16xi32>], vector<16xf32>,
        %add3A_152 = arith.addi %shift_left3A_62, %broadcast_in_dim3A_146 : vector<16xi32>
        %gather3A_153 = tpu.vector_load_idx %arg18[%shift_right_logical3A_56, %add3A_152] : memref<32x128xf32, #tpu.memory_space<vmem>>[vector<16xi32>, vector<16xi32>], vector<16xf32>,
        %add3A_154 = arith.constant 64 : i32
        %add3A_155 = vector.broadcast %add3A_154 : i32 to vector<16xi32>
        %add3A_156 = arith.addi %broadcast_in_dim3A_146, %add3A_155 : vector<16xi32>
        tpu.vector_store_idx %arg14[%add3A_40, %add3A_156], %gather3A_153 : memref<640x128xf32, #tpu.memory_space<vmem>>[vector<16xi32>, vector<16xi32>], vector<16xf32>,
      }
      %scan3A_35 = arith.constant 40 : i32
      "tpu.region"() ({
        %run_scoped3A = tpu.sem_alloc : memref<!tpu.dma_semaphore, #tpu.memory_space<semaphore_mem>>
        %dma_start3A_36 = arith.constant 0 : i32
        %dma_start3A_37 = tpu.memref_slice %arg10[%add3A_23, %dma_start3A_36] : memref<122880x128xf32, #tpu.memory_space<hbm>> -> memref<640x128xf32, #tpu.memory_space<hbm>>
        %dma_start3A_38 = arith.constant 0 : i32
        %dma_start3A_39 = tpu.memref_slice %arg10[%add3A_23, %dma_start3A_38] : memref<122880x128xf32, #tpu.memory_space<hbm>> -> memref<640x128xf32, #tpu.memory_space<hbm>>
        tpu.enqueue_dma source(%arg14 : memref<640x128xf32, #tpu.memory_space<vmem>>) target(%dma_start3A_39 : memref<640x128xf32, #tpu.memory_space<hbm>>) target_semaphore(%run_scoped3A : memref<!tpu.dma_semaphore, #tpu.memory_space<semaphore_mem>>)
        %dma_wait3A_40 = arith.constant 0 : i32
        %dma_wait3A_41 = tpu.memref_slice %arg10[%add3A_23, %dma_wait3A_40] : memref<122880x128xf32, #tpu.memory_space<hbm>> -> memref<640x128xf32, #tpu.memory_space<hbm>>
        %dma_wait3A_42 = arith.constant 0 : i32
        %dma_wait3A_43 = tpu.memref_slice %arg10[%add3A_23, %dma_wait3A_42] : memref<122880x128xf32, #tpu.memory_space<hbm>> -> memref<640x128xf32, #tpu.memory_space<hbm>>
        tpu.wait_dma2 semaphore(%run_scoped3A : memref<!tpu.dma_semaphore, #tpu.memory_space<semaphore_mem>>) src(%arg14 : memref<640x128xf32, #tpu.memory_space<vmem>>) dst(%dma_wait3A_43 : memref<640x128xf32, #tpu.memory_space<hbm>>)
        tpu.yield
      }) : () -> ()
    }
    %scan3A_7 = arith.constant 6 : i32
    %mul3A_8 = arith.constant 32 : i32
    %mul3A_9 = arith.muli %add3A, %mul3A_8 : i32
    "tpu.region"() ({
      %run_scoped3A = tpu.sem_alloc : memref<!tpu.dma_semaphore, #tpu.memory_space<semaphore_mem>>
      %dma_start3A_20 = tpu.memref_slice %arg4[%mul3A_9] : memref<1024xi32, #tpu.memory_space<hbm>> -> memref<32xi32, #tpu.memory_space<hbm>>
      %dma_start3A_21 = tpu.memref_slice %arg4[%mul3A_9] : memref<1024xi32, #tpu.memory_space<hbm>> -> memref<32xi32, #tpu.memory_space<hbm>>
      tpu.enqueue_dma source(%dma_start3A_21 : memref<32xi32, #tpu.memory_space<hbm>>) target(%arg15 : memref<32xi32, #tpu.memory_space<vmem>>) target_semaphore(%run_scoped3A : memref<!tpu.dma_semaphore, #tpu.memory_space<semaphore_mem>>)
      %dma_wait3A_22 = tpu.memref_slice %arg4[%mul3A_9] : memref<1024xi32, #tpu.memory_space<hbm>> -> memref<32xi32, #tpu.memory_space<hbm>>
      %dma_wait3A_23 = tpu.memref_slice %arg4[%mul3A_9] : memref<1024xi32, #tpu.memory_space<hbm>> -> memref<32xi32, #tpu.memory_space<hbm>>
      tpu.wait_dma2 semaphore(%run_scoped3A : memref<!tpu.dma_semaphore, #tpu.memory_space<semaphore_mem>>) src(%dma_wait3A_23 : memref<32xi32, #tpu.memory_space<hbm>>) dst(%arg15 : memref<32xi32, #tpu.memory_space<vmem>>)
      tpu.yield
    }) : () -> ()
    %dma_start3A = arith.constant 0 : i32
    %dma_start3A_10 = arith.constant 0 : i32
    %dma_start3A_11 = tpu.memref_slice %arg2[%dma_start3A, %dma_start3A_10] : memref<100000x128xf32, #tpu.memory_space<hbm>> -> memref<100000x128xf32, #tpu.memory_space<hbm>>
    tpu.enqueue_indirect_dma source(%dma_start3A_11 : memref<100000x128xf32, #tpu.memory_space<hbm>>) target(%arg16 : memref<32x128xf32, #tpu.memory_space<vmem>>) offsets(%arg15 : memref<32xi32, #tpu.memory_space<vmem>>) semaphore(%arg21 : memref<!tpu.dma_semaphore, #tpu.memory_space<semaphore_mem>>)
    %dma_wait3A = arith.constant 0 : i32
    %dma_wait3A_12 = arith.constant 0 : i32
    %dma_wait3A_13 = tpu.memref_slice %arg2[%dma_wait3A, %dma_wait3A_12] : memref<100000x128xf32, #tpu.memory_space<hbm>> -> memref<100000x128xf32, #tpu.memory_space<hbm>>
    tpu.wait_indirect_dma semaphore(%arg21 : memref<!tpu.dma_semaphore, #tpu.memory_space<semaphore_mem>>) src(%dma_wait3A_13 : memref<100000x128xf32, #tpu.memory_space<hbm>>) dst(%arg16 : memref<32x128xf32, #tpu.memory_space<vmem>>)
    "tpu.region"() ({
      %run_scoped3A = tpu.sem_alloc : memref<!tpu.dma_semaphore, #tpu.memory_space<semaphore_mem>>
      %dma_start3A_20 = arith.constant 0 : i32
      %dma_start3A_21 = tpu.memref_slice %arg11[%mul3A_9, %dma_start3A_20] : memref<1024x128xf32, #tpu.memory_space<hbm>> -> memref<32x128xf32, #tpu.memory_space<hbm>>
      %dma_start3A_22 = arith.constant 0 : i32
      %dma_start3A_23 = tpu.memref_slice %arg11[%mul3A_9, %dma_start3A_22] : memref<1024x128xf32, #tpu.memory_space<hbm>> -> memref<32x128xf32, #tpu.memory_space<hbm>>
      tpu.enqueue_dma source(%arg16 : memref<32x128xf32, #tpu.memory_space<vmem>>) target(%dma_start3A_23 : memref<32x128xf32, #tpu.memory_space<hbm>>) target_semaphore(%run_scoped3A : memref<!tpu.dma_semaphore, #tpu.memory_space<semaphore_mem>>)
      %dma_wait3A_24 = arith.constant 0 : i32
      %dma_wait3A_25 = tpu.memref_slice %arg11[%mul3A_9, %dma_wait3A_24] : memref<1024x128xf32, #tpu.memory_space<hbm>> -> memref<32x128xf32, #tpu.memory_space<hbm>>
      %dma_wait3A_26 = arith.constant 0 : i32
      %dma_wait3A_27 = tpu.memref_slice %arg11[%mul3A_9, %dma_wait3A_26] : memref<1024x128xf32, #tpu.memory_space<hbm>> -> memref<32x128xf32, #tpu.memory_space<hbm>>
      tpu.wait_dma2 semaphore(%run_scoped3A : memref<!tpu.dma_semaphore, #tpu.memory_space<semaphore_mem>>) src(%arg16 : memref<32x128xf32, #tpu.memory_space<vmem>>) dst(%dma_wait3A_27 : memref<32x128xf32, #tpu.memory_space<hbm>>)
      tpu.yield
    }) : () -> ()
    "tpu.region"() ({
      %run_scoped3A = tpu.sem_alloc : memref<!tpu.dma_semaphore, #tpu.memory_space<semaphore_mem>>
      %dma_start3A_20 = tpu.memref_slice %arg5[%mul3A_9] : memref<1024xi32, #tpu.memory_space<hbm>> -> memref<32xi32, #tpu.memory_space<hbm>>
      %dma_start3A_21 = tpu.memref_slice %arg5[%mul3A_9] : memref<1024xi32, #tpu.memory_space<hbm>> -> memref<32xi32, #tpu.memory_space<hbm>>
      tpu.enqueue_dma source(%dma_start3A_21 : memref<32xi32, #tpu.memory_space<hbm>>) target(%arg15 : memref<32xi32, #tpu.memory_space<vmem>>) target_semaphore(%run_scoped3A : memref<!tpu.dma_semaphore, #tpu.memory_space<semaphore_mem>>)
      %dma_wait3A_22 = tpu.memref_slice %arg5[%mul3A_9] : memref<1024xi32, #tpu.memory_space<hbm>> -> memref<32xi32, #tpu.memory_space<hbm>>
      %dma_wait3A_23 = tpu.memref_slice %arg5[%mul3A_9] : memref<1024xi32, #tpu.memory_space<hbm>> -> memref<32xi32, #tpu.memory_space<hbm>>
      tpu.wait_dma2 semaphore(%run_scoped3A : memref<!tpu.dma_semaphore, #tpu.memory_space<semaphore_mem>>) src(%dma_wait3A_23 : memref<32xi32, #tpu.memory_space<hbm>>) dst(%arg15 : memref<32xi32, #tpu.memory_space<vmem>>)
      tpu.yield
    }) : () -> ()
    %dma_start3A_14 = arith.constant 0 : i32
    %dma_start3A_15 = arith.constant 0 : i32
    %dma_start3A_16 = tpu.memref_slice %arg2[%dma_start3A_14, %dma_start3A_15] : memref<100000x128xf32, #tpu.memory_space<hbm>> -> memref<100000x128xf32, #tpu.memory_space<hbm>>
    tpu.enqueue_indirect_dma source(%dma_start3A_16 : memref<100000x128xf32, #tpu.memory_space<hbm>>) target(%arg16 : memref<32x128xf32, #tpu.memory_space<vmem>>) offsets(%arg15 : memref<32xi32, #tpu.memory_space<vmem>>) semaphore(%arg21 : memref<!tpu.dma_semaphore, #tpu.memory_space<semaphore_mem>>)
    %dma_wait3A_17 = arith.constant 0 : i32
    %dma_wait3A_18 = arith.constant 0 : i32
    %dma_wait3A_19 = tpu.memref_slice %arg2[%dma_wait3A_17, %dma_wait3A_18] : memref<100000x128xf32, #tpu.memory_space<hbm>> -> memref<100000x128xf32, #tpu.memory_space<hbm>>
    tpu.wait_indirect_dma semaphore(%arg21 : memref<!tpu.dma_semaphore, #tpu.memory_space<semaphore_mem>>) src(%dma_wait3A_19 : memref<100000x128xf32, #tpu.memory_space<hbm>>) dst(%arg16 : memref<32x128xf32, #tpu.memory_space<vmem>>)
    "tpu.region"() ({
      %run_scoped3A = tpu.sem_alloc : memref<!tpu.dma_semaphore, #tpu.memory_space<semaphore_mem>>
      %dma_start3A_20 = arith.constant 0 : i32
      %dma_start3A_21 = tpu.memref_slice %arg12[%mul3A_9, %dma_start3A_20] : memref<1024x128xf32, #tpu.memory_space<hbm>> -> memref<32x128xf32, #tpu.memory_space<hbm>>
      %dma_start3A_22 = arith.constant 0 : i32
      %dma_start3A_23 = tpu.memref_slice %arg12[%mul3A_9, %dma_start3A_22] : memref<1024x128xf32, #tpu.memory_space<hbm>> -> memref<32x128xf32, #tpu.memory_space<hbm>>
      tpu.enqueue_dma source(%arg16 : memref<32x128xf32, #tpu.memory_space<vmem>>) target(%dma_start3A_23 : memref<32x128xf32, #tpu.memory_space<hbm>>) target_semaphore(%run_scoped3A : memref<!tpu.dma_semaphore, #tpu.memory_space<semaphore_mem>>)
      %dma_wait3A_24 = arith.constant 0 : i32
      %dma_wait3A_25 = tpu.memref_slice %arg12[%mul3A_9, %dma_wait3A_24] : memref<1024x128xf32, #tpu.memory_space<hbm>> -> memref<32x128xf32, #tpu.memory_space<hbm>>
      %dma_wait3A_26 = arith.constant 0 : i32
      %dma_wait3A_27 = tpu.memref_slice %arg12[%mul3A_9, %dma_wait3A_26] : memref<1024x128xf32, #tpu.memory_space<hbm>> -> memref<32x128xf32, #tpu.memory_space<hbm>>
      tpu.wait_dma2 semaphore(%run_scoped3A : memref<!tpu.dma_semaphore, #tpu.memory_space<semaphore_mem>>) src(%arg16 : memref<32x128xf32, #tpu.memory_space<vmem>>) dst(%dma_wait3A_27 : memref<32x128xf32, #tpu.memory_space<hbm>>)
      tpu.yield
    }) : () -> ()
    return
  }
}

module attributes {stable_mosaic.version = 14 : i64} {
  func.func @_dense_body(%arg0: i32, %arg1: memref<3840x128xf32, #tpu.memory_space<vmem>>, %arg2: memref<32x128xf32, #tpu.memory_space<vmem>>, %arg3: memref<32x128xf32, #tpu.memory_space<vmem>>, %arg4: memref<55x50xf32, #tpu.memory_space<vmem>>, %arg5: memref<55x50xf32, #tpu.memory_space<vmem>>, %arg6: memref<55x8xf32, #tpu.memory_space<vmem>>, %arg7: memref<32x55xf32, #tpu.memory_space<vmem>>, %arg8: memref<32x120x105xf32, #tpu.memory_space<vmem>>) attributes {dimension_semantics = [#tpu.dimension_semantics<arbitrary>], iteration_bounds = array<i64: 32>, scalar_prefetch = 0 : i64, scratch_operands = 0 : i64, tpu.core_type = #tpu.core_type<tc>, window_params = [{transform_indices = @transform_0, window_bounds = array<i64: 3840, 128>}, {transform_indices = @transform_1, window_bounds = array<i64: 32, 128>}, {transform_indices = @transform_2, window_bounds = array<i64: 32, 128>}, {pipeline_mode = #tpu.pipeline_mode<synchronous>, transform_indices = @transform_3, window_bounds = array<i64: 55, 50>}, {pipeline_mode = #tpu.pipeline_mode<synchronous>, transform_indices = @transform_4, window_bounds = array<i64: 55, 50>}, {pipeline_mode = #tpu.pipeline_mode<synchronous>, transform_indices = @transform_5, window_bounds = array<i64: 55, 8>}, {pipeline_mode = #tpu.pipeline_mode<synchronous>, transform_indices = @transform_6, window_bounds = array<i64: 32, 55>}, {transform_indices = @transform_7, window_bounds = array<i64: 32, 120, 105>}]} {
    %get3A = arith.constant 0 : index
    %get3A_0 = arith.constant 0 : index
    %get3A_1 = vector.load %arg1[%get3A, %get3A_0] : memref<3840x128xf32, #tpu.memory_space<vmem>>, vector<3840x128xf32>
    %slice3A = vector.extract_strided_slice %get3A_1 {offsets = [0, 0], sizes = [3840, 50], strides = [1, 1]} : vector<3840x128xf32> to vector<3840x50xf32>
    %slice3A_2 = vector.extract_strided_slice %get3A_1 {offsets = [0, 56], sizes = [3840, 8], strides = [1, 1]} : vector<3840x128xf32> to vector<3840x8xf32>
    %slice3A_3 = vector.extract_strided_slice %get3A_1 {offsets = [0, 64], sizes = [3840, 8], strides = [1, 1]} : vector<3840x128xf32> to vector<3840x8xf32>
    %get3A_4 = arith.constant 0 : index
    %get3A_5 = arith.constant 0 : index
    %get3A_6 = vector.load %arg2[%get3A_4, %get3A_5] : memref<32x128xf32, #tpu.memory_space<vmem>>, vector<32x128xf32>
    %slice3A_7 = vector.extract_strided_slice %get3A_6 {offsets = [0, 0], sizes = [32, 50], strides = [1, 1]} : vector<32x128xf32> to vector<32x50xf32>
    %get3A_8 = arith.constant 0 : index
    %get3A_9 = arith.constant 0 : index
    %get3A_10 = vector.load %arg3[%get3A_8, %get3A_9] : memref<32x128xf32, #tpu.memory_space<vmem>>, vector<32x128xf32>
    %slice3A_11 = vector.extract_strided_slice %get3A_10 {offsets = [0, 0], sizes = [32, 50], strides = [1, 1]} : vector<32x128xf32> to vector<32x50xf32>
    %get3A_12 = arith.constant 0 : index
    %get3A_13 = arith.constant 0 : index
    %get3A_14 = vector.load %arg4[%get3A_12, %get3A_13] : memref<55x50xf32, #tpu.memory_space<vmem>>, vector<55x50xf32>
    %dot_general3A = arith.constant dense<0.000000e+00> : vector<3840x55xf32>
    %dot_general3A_15 = tpu.matmul %slice3A, %get3A_14, %dot_general3A {dimension_numbers = #tpu.dot_dimension_numbers<[1], [1], [0], [0], [0, 0, 1, 0], [], []>, transpose_lhs_hint = false} : vector<3840x50xf32>, vector<55x50xf32>, vector<3840x55xf32> -> vector<3840x55xf32>
    %get3A_16 = arith.constant 0 : index
    %get3A_17 = arith.constant 0 : index
    %get3A_18 = vector.load %arg6[%get3A_16, %get3A_17] : memref<55x8xf32, #tpu.memory_space<vmem>>, vector<55x8xf32>
    %dot_general3A_19 = arith.constant dense<0.000000e+00> : vector<3840x55xf32>
    %dot_general3A_20 = tpu.matmul %slice3A_2, %get3A_18, %dot_general3A_19 {dimension_numbers = #tpu.dot_dimension_numbers<[1], [1], [0], [0], [0, 0, 1, 0], [], []>, transpose_lhs_hint = false} : vector<3840x8xf32>, vector<55x8xf32>, vector<3840x55xf32> -> vector<3840x55xf32>
    %get3A_21 = arith.constant 0 : index
    %get3A_22 = arith.constant 0 : index
    %get3A_23 = vector.load %arg5[%get3A_21, %get3A_22] : memref<55x50xf32, #tpu.memory_space<vmem>>, vector<55x50xf32>
    %dot_general3A_24 = arith.constant dense<0.000000e+00> : vector<32x55xf32>
    %dot_general3A_25 = tpu.matmul %slice3A_7, %get3A_23, %dot_general3A_24 {dimension_numbers = #tpu.dot_dimension_numbers<[1], [1], [0], [0], [0, 0, 1, 0], [], []>, transpose_lhs_hint = false} : vector<32x50xf32>, vector<55x50xf32>, vector<32x55xf32> -> vector<32x55xf32>
    %get3A_26 = arith.constant 0 : index
    %get3A_27 = arith.constant 0 : index
    %get3A_28 = vector.load %arg7[%get3A_26, %get3A_27] : memref<32x55xf32, #tpu.memory_space<vmem>>, vector<32x55xf32>
    %add3A = arith.addf %dot_general3A_25, %get3A_28 : vector<32x55xf32>
    %broadcast_in_dim3A = vector.shape_cast %add3A : vector<32x55xf32> to vector<32x1x55xf32>
    %broadcast_in_dim3A_29 = vector.shape_cast %broadcast_in_dim3A : vector<32x1x55xf32> to vector<32x1x55xf32>
    %broadcast_in_dim3A_30 = vector.broadcast %broadcast_in_dim3A_29 : vector<32x1x55xf32> to vector<32x120x55xf32>
    %reshape3A = vector.shape_cast %broadcast_in_dim3A_30 : vector<32x120x55xf32> to vector<3840x55xf32>
    %add3A_31 = arith.addf %dot_general3A_15, %dot_general3A_20 : vector<3840x55xf32>
    %add3A_32 = arith.addf %add3A_31, %reshape3A : vector<3840x55xf32>
    %neg3A = arith.constant 0.000000e+00 : f32
    %neg3A_33 = vector.broadcast %neg3A : f32 to vector<3840x55xf32>
    %neg3A_34 = arith.subf %neg3A_33, %add3A_32 : vector<3840x55xf32>
    %exp3A = math.exp %neg3A_34 : vector<3840x55xf32>
    %add3A_35 = arith.constant 1.000000e+00 : f32
    %add3A_36 = vector.broadcast %add3A_35 : f32 to vector<3840x55xf32>
    %add3A_37 = arith.addf %add3A_36, %exp3A : vector<3840x55xf32>
    %div3A = arith.constant 1.000000e+00 : f32
    %div3A_38 = vector.broadcast %div3A : f32 to vector<3840x55xf32>
    %div3A_39 = arith.divf %div3A_38, %add3A_37 : vector<3840x55xf32>
    %slice3A_40 = vector.extract_strided_slice %div3A_39 {offsets = [0, 0], sizes = [3840, 50], strides = [1, 1]} : vector<3840x55xf32> to vector<3840x50xf32>
    %slice3A_41 = vector.extract_strided_slice %div3A_39 {offsets = [0, 50], sizes = [3840, 5], strides = [1, 1]} : vector<3840x55xf32> to vector<3840x5xf32>
    %broadcast_in_dim3A_42 = vector.shape_cast %slice3A_7 : vector<32x50xf32> to vector<32x1x50xf32>
    %broadcast_in_dim3A_43 = vector.shape_cast %broadcast_in_dim3A_42 : vector<32x1x50xf32> to vector<32x1x50xf32>
    %broadcast_in_dim3A_44 = vector.broadcast %broadcast_in_dim3A_43 : vector<32x1x50xf32> to vector<32x120x50xf32>
    %reshape3A_45 = vector.shape_cast %broadcast_in_dim3A_44 : vector<32x120x50xf32> to vector<3840x50xf32>
    %broadcast_in_dim3A_46 = vector.shape_cast %slice3A_11 : vector<32x50xf32> to vector<32x1x50xf32>
    %broadcast_in_dim3A_47 = vector.shape_cast %broadcast_in_dim3A_46 : vector<32x1x50xf32> to vector<32x1x50xf32>
    %broadcast_in_dim3A_48 = vector.broadcast %broadcast_in_dim3A_47 : vector<32x1x50xf32> to vector<32x120x50xf32>
    %reshape3A_49 = vector.shape_cast %broadcast_in_dim3A_48 : vector<32x120x50xf32> to vector<3840x50xf32>
    %sub3A = arith.subf %reshape3A_45, %reshape3A_49 : vector<3840x50xf32>
    %mul3A = arith.mulf %slice3A_40, %sub3A : vector<3840x50xf32>
    %add3A_50 = arith.addf %reshape3A_49, %mul3A : vector<3840x50xf32>
    %slice3A_51 = vector.extract_strided_slice %slice3A_2 {offsets = [0, 0], sizes = [3840, 5], strides = [1, 1]} : vector<3840x8xf32> to vector<3840x5xf32>
    %slice3A_52 = vector.extract_strided_slice %slice3A_3 {offsets = [0, 0], sizes = [3840, 5], strides = [1, 1]} : vector<3840x8xf32> to vector<3840x5xf32>
    %sub3A_53 = arith.subf %slice3A_51, %slice3A_52 : vector<3840x5xf32>
    %mul3A_54 = arith.mulf %slice3A_41, %sub3A_53 : vector<3840x5xf32>
    %add3A_55 = arith.addf %slice3A_52, %mul3A_54 : vector<3840x5xf32>
    %concatenate3A = tpu.concatenate %slice3A, %add3A_50, %add3A_55 in 1 : vector<3840x50xf32>, vector<3840x50xf32>, vector<3840x5xf32> -> vector<3840x105xf32>
    %reshape3A_56 = vector.shape_cast %concatenate3A : vector<3840x105xf32> to vector<32x120x105xf32>
    %swap3A = arith.constant 0 : index
    %swap3A_57 = arith.constant 0 : index
    %swap3A_58 = arith.constant 0 : index
    %swap3A_59 = vector.load %arg8[%swap3A, %swap3A_57, %swap3A_58] : memref<32x120x105xf32, #tpu.memory_space<vmem>>, vector<32x120x105xf32>
    tpu.vector_store %arg8[%swap3A, %swap3A_57, %swap3A_58], %reshape3A_56 {strides = array<i32>} : memref<32x120x105xf32, #tpu.memory_space<vmem>>, vector<32x120x105xf32>,
    return
  }
  func.func @transform_0(%arg0: i32) -> (i32, i32) {
    %c0_i32 = arith.constant 0 : i32
    %c0_i32_0 = arith.constant 0 : i32
    return %arg0, %c0_i32 : i32, i32
  }
  func.func @transform_1(%arg0: i32) -> (i32, i32) {
    %c0_i32 = arith.constant 0 : i32
    %c0_i32_0 = arith.constant 0 : i32
    return %arg0, %c0_i32 : i32, i32
  }
  func.func @transform_2(%arg0: i32) -> (i32, i32) {
    %c0_i32 = arith.constant 0 : i32
    %c0_i32_0 = arith.constant 0 : i32
    return %arg0, %c0_i32 : i32, i32
  }
  func.func @transform_3(%arg0: i32) -> (i32, i32) {
    %c0_i32 = arith.constant 0 : i32
    %c0_i32_0 = arith.constant 0 : i32
    %c0_i32_1 = arith.constant 0 : i32
    return %c0_i32, %c0_i32_0 : i32, i32
  }
  func.func @transform_4(%arg0: i32) -> (i32, i32) {
    %c0_i32 = arith.constant 0 : i32
    %c0_i32_0 = arith.constant 0 : i32
    %c0_i32_1 = arith.constant 0 : i32
    return %c0_i32, %c0_i32_0 : i32, i32
  }
  func.func @transform_5(%arg0: i32) -> (i32, i32) {
    %c0_i32 = arith.constant 0 : i32
    %c0_i32_0 = arith.constant 0 : i32
    %c0_i32_1 = arith.constant 0 : i32
    return %c0_i32, %c0_i32_0 : i32, i32
  }
  func.func @transform_6(%arg0: i32) -> (i32, i32) {
    %c0_i32 = arith.constant 0 : i32
    %c0_i32_0 = arith.constant 0 : i32
    %c0_i32_1 = arith.constant 0 : i32
    return %c0_i32, %c0_i32_0 : i32, i32
  }
  func.func @transform_7(%arg0: i32) -> (i32, i32, i32) {
    %c0_i32 = arith.constant 0 : i32
    %c0_i32_0 = arith.constant 0 : i32
    %c0_i32_1 = arith.constant 0 : i32
    return %arg0, %c0_i32, %c0_i32_0 : i32, i32, i32
  }
}

</mosaic_0001>

<sc_bundles>
// kernel: kernel.4.cloned.1.call-start
scs
__scs_entry_jumppad:
0x0: {  	(pc) =	sbr.rel $0x88, $3  }
0x1: {  	(tag) =	ssettag $0x0;
	lr =	simm.s32 $0x1  }
0x2: {  	[smem:$0x3F97] =	sst lr;
	_ =	strace $0xD0000000  }
0x3: {  	_ = 	snop  }
0x4: {  	_ = 	snop  }
0x5: {  	_ = 	snop  }
0x6: {  	_ = 	snop  }
0x7: {  	_ = 	snop  }
__scs_overlays_trampoline_lowered:
0x8: {  	[smem:$0x3FA6] =	sst s0  }
0x9: {  	[smem:$0x3FA7] =	sst s1  }
0xa: {  	[smem:$0x3FA8] =	sst s2  }
0xb: {  	[smem:$0x3FA9] =	sst s3  }
0xc: {  	[smem:$0x3FAA] =	sst s4  }
0xd: {  	[smem:$0x3FAB] =	sst s5  }
0xe: {  	[smem:$0x3FAC] =	sst s6  }
0xf: {  	[smem:$0x3FAD] =	sst s7  }
0x10: {  	[smem:$0x3FAE] =	sst s8  }
0x11: {  	[smem:$0x3FAF] =	sst s9;
	s0 =	simm.s32 @!p0 $0x0  }
0x12: {  	s1 =	sld [smem:$0x3F95];
	s0 =	simm.s32 @p0 $0x1  }
0x13: {  	[smem:$0x3FB0] =	sst s0;
	s0 =	simm.s32 @!p1 $0x0  }
0x14: {  	s2 =	sld [smem:$0x3F94];
	s0 =	simm.s32 @p1 $0x1  }
0x15: {  	[smem:$0x3FB1] =	sst s0;
	s0 =	simm.s32 @!p2 $0x0  }
0x16: {  	s3 =	sld [smem:$0x3FDB];
	s0 =	simm.s32 @p2 $0x1  }
0x17: {  	s4 =	simm.s32 $0x1BF5;
	[smem:$0x3FB3] =	sst s0  }
0x18: {  	s0 =	sld [smem:$0x3F96];
	_ =	swait.ge [sflag:s4], $0x0  }
0x19: {  	s7 =	sld [smem:$0x3F97]  }
0x1a: {  	s8 =	sadd.s32 $0xFFFFE003, lr  }
0x1b: {  	s9 =	sadd.s32 $0xFFFFFEF7, lr;
	s5 =	simm.s32 $0xFFFFFFFF;
	p2 =	slt.u32 s8, $0xFFFFF086  }
0x1c: {  	p1 =	slt.u32 s9, $0xF7A;
	s5 =	simm.s32 @!p2 $0x0  }
0x1d: {  	s5 =	simm.s32 @p1 $0x1;
	p0 =	seq.s32 s7, s2  }
0x1e: {  	s7 =	smul.u32 @!p0 $0xF7A, s2;
	p2 =	seq.s32 @!p0 s5, $0x0  }
0x1f: {  	s9 =	smul.u32 $0xF7A, s1;
	s8 =	simm.s32 @!p0 $0x1BF5;
	p2 =	por !p2, p0  }
0x20: {  	[sflag:s8] =	ssyncset.s32 @!p0 $0xFFFFF086;
	s6 =	sadd.s32 @!p0 s3, s7;
	s7 =	simm.s32 @!p0 $0x108  }
0x21: {  	s3 =	sadd.s32 s3, s9;
	s6 =	sadd.s32 @!p0 $0x88, s6;
	s7 =	simm.s32 @p2 $0x1082  }
0x22: {  	[simem:s7], [sflag:s8] =	dma.local @!p0 [hbm:s6], $0xF7A  }
0x23: {  	s9 =	sor.u32 $0xD0000000, s2;
	s6 =	simm.s32 $0x108;
	_ =	swait.ge @!p0 [sflag:s8], $0x0  }
0x24: {  	s3 =	sadd.s32 $0x88, s3;
	s6 =	simm.s32 @!p1 $0x1082;
	[sflag:s4] =	ssyncset.s32 $0xFFFFF086  }
0x25: {  	[simem:s6], [sflag:s4] =	dma.local [hbm:s3], $0xF7A  }
0x26: {  	[smem:$0x3F97] =	sst s1;
	(tag) =	ssettag s2;
	_ =	strace s9  }
0x27: {  	s1 =	sld [smem:$0x3FA7]  }
0x28: {  	s2 =	sld [smem:$0x3FA8]  }
0x29: {  	s4 =	sld [smem:$0x3FAA]  }
0x2a: {  	p0 =	seq.s32 s5, $0x0;
	s5 =	sld [smem:$0x3FAB]  }
0x2b: {  	s6 =	sld [smem:$0x3FAC]  }
0x2c: {  	s7 =	sld [smem:$0x3FAD]  }
0x2d: {  	s3 =	simm.s32 $0x108;
	s8 =	sld [smem:$0x3FAE]  }
0x2e: {  	s3 =	simm.s32 @!p0 $0x1082;
	s9 =	sld [smem:$0x3FAF]  }
0x2f: {  	lr =	sadd.s32 s0, s3;
	s0 =	sld [smem:$0x3FA6]  }
0x30: {  	s3 =	sld [smem:$0x3FA9]  }
0x31: {  	[smem:$0x3FB2] =	sst s10  }
0x32: {  	s10 =	sld [smem:$0x3FB0];
	_ =	sdelay $0x3  }
0x33: {  	p0 =	seq.s32 s10, $0x1;
	s10 =	sld [smem:$0x3FB2];
	_ =	sdelay $0x3  }
0x34: {  	[smem:$0x3FB2] =	sst s10  }
0x35: {  	s10 =	sld [smem:$0x3FB1];
	_ =	sdelay $0x3  }
0x36: {  	p1 =	seq.s32 s10, $0x1;
	s10 =	sld [smem:$0x3FB2];
	_ =	sdelay $0x3  }
0x37: {  	[smem:$0x3FB2] =	sst s10  }
0x38: {  	s10 =	sld [smem:$0x3FB3]  }
0x39: {  	_ = 	snop;
	(pc) =	sbr.ind lr, $3  }
0x3a: {  	_ = 	snop  }
0x3b: {  	_ = 	snop  }
0x3c: {  	p2 =	seq.s32 s10, $0x1;
	s10 =	sld [smem:$0x3FB2]  }
0x3d: {  	_ =	shalt  }
0x3e: {  	_ =	shalt  }
0x3f: {  	_ =	shalt  }
0x40: {  	_ =	shalt  }
0x41: {  	_ =	shalt  }
0x42: {  	_ =	shalt  }
0x43: {  	_ =	shalt  }
0x44: {  	_ =	shalt  }
0x45: {  	_ =	shalt  }
0x46: {  	_ =	shalt  }
0x47: {  	_ =	shalt  }
0x48: {  	_ =	shalt  }
0x49: {  	_ =	shalt  }
0x4a: {  	_ =	shalt  }
0x4b: {  	_ =	shalt  }
0x4c: {  	_ =	shalt  }
0x4d: {  	_ =	shalt  }
0x4e: {  	_ =	shalt  }
0x4f: {  	_ =	shalt  }
0x50: {  	_ =	shalt  }
0x51: {  	_ =	shalt  }
0x52: {  	_ =	shalt  }
0x53: {  	_ =	shalt  }
0x54: {  	_ =	shalt  }
0x55: {  	_ =	shalt  }
0x56: {  	_ =	shalt  }
0x57: {  	_ =	shalt  }
0x58: {  	_ =	shalt  }
0x59: {  	_ =	shalt  }
0x5a: {  	_ =	shalt  }
0x5b: {  	_ =	shalt  }
0x5c: {  	_ =	shalt  }
0x5d: {  	_ =	shalt  }
0x5e: {  	_ =	shalt  }
0x5f: {  	_ =	shalt  }
0x60: {  	_ =	shalt  }
0x61: {  	_ =	shalt  }
0x62: {  	_ =	shalt  }
0x63: {  	_ =	shalt  }
0x64: {  	_ =	shalt  }
0x65: {  	_ =	shalt  }
0x66: {  	_ =	shalt  }
0x67: {  	_ =	shalt  }
0x68: {  	_ =	shalt  }
0x69: {  	_ =	shalt  }
0x6a: {  	_ =	shalt  }
0x6b: {  	_ =	shalt  }
0x6c: {  	_ =	shalt  }
0x6d: {  	_ =	shalt  }
0x6e: {  	_ =	shalt  }
0x6f: {  	_ =	shalt  }
0x70: {  	_ =	shalt  }
0x71: {  	_ =	shalt  }
0x72: {  	_ =	shalt  }
0x73: {  	_ =	shalt  }
0x74: {  	_ =	shalt  }
0x75: {  	_ =	shalt  }
0x76: {  	_ =	shalt  }
0x77: {  	_ =	shalt  }
0x78: {  	_ =	shalt  }
0x79: {  	_ =	shalt  }
0x7a: {  	_ =	shalt  }
0x7b: {  	_ =	shalt  }
0x7c: {  	_ =	shalt  }
0x7d: {  	_ =	shalt  }
0x7e: {  	_ =	shalt  }
0x7f: {  	_ =	shalt  }
0x80: {  	_ =	shalt  }
0x81: {  	_ =	shalt  }
0x82: {  	_ =	shalt  }
0x83: {  	_ =	shalt  }
0x84: {  	_ =	shalt  }
0x85: {  	_ =	shalt  }
0x86: {  	_ =	shalt  }
0x87: {  	_ =	shalt  }
.Lfunc_end0:
.L_simem_size_0:
called_computation_lowered:
.L_overlay_start_0:
0x88: {  	s2 =	sld [smem:$0x3FD9]  }
0x89: {  	s3 =	sld [smem:$0x3FFE];
	_ =	sdelay $0x1  }
0x8a: {  	s1 =	srdreg.scid  }
0x8b: {  	s0 =	sand.u32 $0x1, s1  }
0x8c: {  	s17 =	sshll.u32 s0, $0xA;
	s2 =	sadd.s32 s3, s2  }
0x8d: {  	s2 =	sadd.s32 s2, s17  }
0x8e: {  	[smem:$0x3FBE] =	sst s2  }
0x8f: {  	_ = 	snop  }
0x90: {  	s2 =	sld [smem:$0x3FC3]  }
0x91: {  	s18 =	sld [smem:$0x3FC2]  }
0x92: {  	s4 =	sld [smem:$0x3FD0];
	(tm) =	ssettm $0x1  }
0x93: {  	s5 =	sld [smem:$0x3FFB];
	_ =	sdelay $0x3  }
0x94: {  	_ =	strace s5  }
0x95: {  	s5 =	sld [smem:$0x3FFC];
	_ =	sdelay $0x3  }
0x96: {  	_ =	strace s5  }
0x97: {  	s5 =	sld [smem:$0x3FFD];
	_ =	sdelay $0x3  }
0x98: {  	_ =	strace s5  }
0x99: {  	_ =	strace $0x8FFFFFFF  }
0x9a: {  	s19 =	sld [smem:$0x3FDB];
	_ =	sdelay $0x1  }
0x9b: {  	s6 =	simm.s32 $_scs_section_size  }
0x9c: {  	s7 =	simm.s32 $_size__tile_overlayer_lowered;
	s8 =	simm.s32 $_tile_overlayer_lowered  }
0x9d: {  	s22 =	simm.s32 $0x1BFF;
	s21 =	sshll.u32 s8, $0x1;
	s5 =	sadd.s32 s6, s19  }
0x9e: {  	s9 =	simm.s32 $0x0;
	s20 =	sshll.u32 s7, $0x1;
	s7 =	sadd.s32 s21, s5  }
0x9f: {  	[timem:s9], [sflag:s22] =	dma.local [hbm:s7], s20  }
0xa0: {  	_ =	swait.ge [sflag:s22], s20  }
0xa1: {  	s6 =	ssub.s32 $0x0, s20;
	[sflag:s22] =	ssyncset.done $0x0  }
0xa2: {  	[sflag:s22] =	ssyncadd.s32 s6;
	_ =	sdelay $0x1  }
0xa3: {  	s23 =	simm.s32 $0x1B8B  }
0xa4: {  	_ =	swait.ge [sflag:s23], $0x1  }
0xa5: {  	[sflag:s23] =	ssyncset.done $0x0  }
0xa6: {  	s25 =	simm.s32 $0x1B8E;
	s24 =	sld [smem:$0x3FFE];
	[sflag:s23] =	ssyncadd.s32 $0xFFFFFFFF  }
0xa7: {  	s26 =	simm.s32 $execute0_lowered;
	[smem:$0x3FD2] =	sst s25  }
0xa8: {  	s7 =	sshll.u32 s26, $0x1;
	_ =	strace $0x80000046;
	[dreg:$0x1] =	wrdreg $0xFFFFFFFF  }
0xa9: {  	s28 =	simm.s32 $_size_execute0_lowered;
	s5 =	sadd.s32 s5, s7;
	[dreg:$0x0] =	wrdreg $0x0  }
0xaa: {  	s7 =	sshll.u32 s28, $0x1;
	[dreg:$0x2] =	wrdreg s5  }
0xab: {  	[dreg:$0x3] =	wrdreg s7  }
0xac: {  	[dreg:$0x4] =	wrdreg $0xC0  }
0xad: {  	_ =	task [dreg:s9], $0x5FFFF  }
0xae: {  	[dreg:$0x1] =	wrdreg $0xFFFFFFFF  }
0xaf: {  	[dreg:$0x0] =	wrdreg $0x60  }
0xb0: {  	[dreg:$0x2] =	wrdreg s24  }
0xb1: {  	[dreg:$0x3] =	wrdreg s2  }
0xb2: {  	[dreg:$0x4] =	wrdreg s18  }
0xb3: {  	[dreg:$0x5] =	wrdreg s4  }
0xb4: {  	[dreg:$0x6] =	wrdreg $0x9  }
0xb5: {  	_ =	task.clear_ibuf [dreg:s9], $0x7FFFF;
	_ =	strace $0x90000046  }
0xb6: {  	s29 =	simm.s32 $0x9;
	_ =	strace $0x80000048  }
0xb7: {  	_ =	swait.ge [sflag:s29], $0x1  }
0xb8: {  	[sflag:s29] =	ssyncadd.s32 $0xFFFFFFFF  }
0xb9: {  	_ =	strace $0x90000048  }
0xba: {  	_ =	sfence  }
0xbb: {  	s30 =	sld [smem:$0x0];
	_ =	sdelay $0x2  }
0xbc: {  	s31 =	sshll.u32 s1, $0xD;
	s1 =	sshrl.u32 s1, $0x2  }
0xbd: {  	s3 =	sand.u32 $0x4000, s31;
	s1 =	sadd.s32 s1, s30  }
0xbe: {  	s0 =	sor.u32 s3, s0;
	s1 =	sshll.u32 s1, $0x11  }
0xbf: {  	s0 =	sor.u32 s1, s0  }
0xc0: {  	s0 =	sadd.s32 $0x8F2B, s0  }
0xc1: {  	[sflag:s0] =	ssyncadd.remote.s32 $0x1  }
0xc2: {  	_ =	sfence.sel $0xFFFF  }
0xc3: {  	[dreg:$0x0] =	wrdreg $0xFFFFFFFF;
	(pc) =	sbr.abs _section_cstart, $3  }
0xc4: {  	[dreg:$0x1] =	wrdreg $0xFFFFFFFF  }
0xc5: {  	_ =	task.clear_ibuf [dreg:s9], $0x2FFFF;
	_ =	strace $0x9FFFFFFF  }
0xc6: {  	(tm) =	ssettm $0x7FFFFFFF  }
0xc7: {  	_ =	shalt  }
tec
execute0_lowered:
.L_overlay_start_1:
0x0: {  	(tag) =	ssettag $0x1  }
0x1: {  	s10 =	rddreg [dreg:$0x0]  }
0x2: {  	s11 =	rddreg [dreg:$0x1]  }
0x3: {  	s13 =	rddreg [dreg:$0x2]  }
0x4: {  	s12 =	rddreg [dreg:$0x3]  }
0x5: {  	s0 =	rddreg [dreg:$0x4]  }
0x6: {  	s1 =	simm.s32 $0x0;
	s8 =	srdreg.scid;
	s3 =	stileid.u32  }
0x7: {  	s19 =	simm.s32 $0x280;
	s20 =	simm.s32 $0x1;
	s21 =	simm.s32 $0x14280  }
0x8: {  	s22 =	simm.s32 $0x20;
	s23 =	simm.s32 $0x14300;
	s24 =	simm.s32 $0x0  }
0x9: {  	[smem:$0x7FF] =	sst s1;
	s2 =	sadd.s32 $0xCA00, s10;
	s4 =	sadd.s32 $0x1600, s10  }
0xa: {  	s5 =	sadd.s32 $0x1200, s10;
	s6 =	sadd.s32 $0x1400, s10;
	s7 =	sadd.s32 $0x5200, s10  }
0xb: {  	s9 =	sand.u32 $0x1, s8;
	s14 =	sshll.u32 s3, $0x1;
	s8 =	sadd.s32 $0x8E00, s10  }
0xc: {  	_ =	strace $0x80000047;
	s14 =	sor.u32 s9, s14;
	s15 =	ssub.s32 $0x2, s9  }
0xd: {  	s9 =	sadd.s32 $0x197400, s10;
	s16 =	sshll.u32 s14, $0x9;
	s17 =	sshrl.u32 s15, $0x1  }
0xe: {  	s31 =	sshll.u32 s14, $0x2;
	s18 =	sadd.s32 s16, s10;
	s15 =	ssub.s32 s15, s17  }
0xf: {  	s10 =	smul.u32 $0xF00, s14;
	s11 =	sadd.s32 s11, s31;
	s12 =	sadd.s32 s12, s16  }
0x10: {  	v0 =	vlaneseq.u32;
	s13 =	sadd.s32 s13, s31;
	s16 =	simm.s32 $0x15300;
	s17 =	simm.s32 $0x2  }
0x11: {  	v0 =	vmul.u32 $0x80, v0;
	s14 =	sadd.s32 $0x193400, s18;
	s15 =	smax.u32 s15, $0x1;
	s18 =	simm.s32 $0x16300  }
.LBB2_1:
0x12: {  	[tilespmem:s16], [sflag:$0x2] =	stream.linear.gather [hbm4b:s5+s1], $0x1000, $0x38;
	[tilespmem:$0x17800] =	vst v63  }
0x13: {  	_ =	swait.ge [sflag:s17], $0x1000  }
0x14: {  	[sflag:s17] =	ssyncset.done $0x0  }
0x15: {  	[sflag:s17] =	ssyncadd.s32 $0xFFFFF000  }
0x16: {  	[tilespmem:s18], [sflag:$0x2] =	stream.linear.gather [hbm4b:s6+s1], $0x1000, $0x38;
	[tilespmem:$0x17800] =	vst v63  }
0x17: {  	_ =	swait.ge [sflag:s17], $0x1000  }
0x18: {  	[sflag:s17] =	ssyncset.done $0x0  }
0x19: {  	s25 =	simm.s32 $0x0;
	[sflag:s17] =	ssyncadd.s32 $0xFFFFF000  }
.LBB2_2:
0x1a: {  	s26 =	smul.u32 $0x280, s25;
	_ =	sdelay $0x1  }
0x1b: {  	s26 =	sadd.s32 s10, s26  }
0x1c: {  	s29 =	sshrl.u32 s26, $0x3  }
0x1d: {  	s30 =	simm.s32 $0x0;
	s28 =	sadd.s32 s4, s29  }
0x1e: {  	[tilespmem:s30], [sflag:$0x2] =	stream.linear.gather [hbm4b:s28+s30], $0x280, $0x38;
	[tilespmem:$0x17800] =	vst v63  }
0x1f: {  	_ =	swait.ge [sflag:s17], $0x280  }
0x20: {  	[sflag:s17] =	ssyncset.done $0x0  }
0x21: {  	s31 =	sadd.s32 s7, s29;
	s28 =	simm.s32 $0x17300;
	[sflag:s17] =	ssyncadd.s32 $0xFFFFFD80  }
0x22: {  	[tilespmem:s28], [sflag:$0x2] =	stream.linear.gather [hbm4b:s31+s30], $0x280, $0x38;
	[tilespmem:$0x17800] =	vst v63  }
0x23: {  	_ =	swait.ge [sflag:s17], $0x280  }
0x24: {  	[sflag:s17] =	ssyncset.done $0x0  }
0x25: {  	s31 =	sadd.s32 s8, s29;
	s29 =	simm.s32 $0x17580;
	[sflag:s17] =	ssyncadd.s32 $0xFFFFFD80  }
0x26: {  	[tilespmem:s29], [sflag:$0x2] =	stream.linear.gather [hbm4b:s31+s30], $0x280, $0x38;
	[tilespmem:$0x17800] =	vst v63  }
0x27: {  	_ =	swait.ge [sflag:s17], $0x280  }
0x28: {  	[sflag:s17] =	ssyncset.done $0x0  }
0x29: {  	[sflag:s17] =	ssyncadd.s32 $0xFFFFFD80  }
0x2a: {  	[tilespmem:s19], [sflag:$0x1] =	stream.indirect.gather [hbm4b:s2+s19], $0x80, s30, s19, $0xb8;
	[tilespmem:$0x17800] =	vst v63  }
0x2b: {  	_ =	swait.ge [sflag:s20], $0x14000  }
0x2c: {  	[sflag:s20] =	ssyncset.done $0x0  }
0x2d: {  	[sflag:s20] =	ssyncadd.s32 $0xFFFEC000  }
0x2e: {  	v1 =	vld [tilespmem:s28+$0x0];
	_ =	sdelay $0x4  }
0x2f: {  	v1 =	vshll.u32 v1, $0x3  }
0x30: {  	v2 =	vld [tilespmem:s29+$0x0]  }
0x31: {  	v3 =	vmov s30  }
0x32: {  	v3 =	vshll.u32 v3, $0x7  }
0x33: {  	v3 =	vor.u32 v0, v3  }
0x34: {  	v5 =	vor.u32 $0x38, v3;
	v4 =	vld.idx.msk [tilespmem:v1+s16+$0x0], $0xffff  }
0x35: {  	v2 =	vshll.u32 v2, $0x3;
	_ =	sdelay $0x3  }
0x36: {  	[tilespmem:v5+s19+$0x0] =	vst.idx.msk $0xffff, v4  }
0x37: {  	v39 =	vor.u32 $0x40, v3;
	v4 =	vld.idx.msk [tilespmem:v2+s18+$0x0], $0xffff  }
0x38: {  	v6 =	vor.u32 $0x1, v1;
	_ =	sdelay $0x3  }
0x39: {  	[tilespmem:v39+s19+$0x0] =	vst.idx.msk $0xffff, v4  }
0x3a: {  	v40 =	vor.u32 $0x39, v3;
	v4 =	vld.idx.msk [tilespmem:v6+s16+$0x0], $0xffff  }
0x3b: {  	v41 =	vor.u32 $0x1, v2;
	_ =	sdelay $0x3  }
0x3c: {  	[tilespmem:v40+s19+$0x0] =	vst.idx.msk $0xffff, v4  }
0x3d: {  	v42 =	vor.u32 $0x41, v3;
	v4 =	vld.idx.msk [tilespmem:v41+s18+$0x0], $0xffff  }
0x3e: {  	v43 =	vor.u32 $0x2, v1;
	_ =	sdelay $0x3  }
0x3f: {  	[tilespmem:v42+s19+$0x0] =	vst.idx.msk $0xffff, v4  }
0x40: {  	v44 =	vor.u32 $0x3A, v3;
	v4 =	vld.idx.msk [tilespmem:v43+s16+$0x0], $0xffff  }
0x41: {  	v45 =	vor.u32 $0x2, v2;
	_ =	sdelay $0x3  }
0x42: {  	[tilespmem:v44+s19+$0x0] =	vst.idx.msk $0xffff, v4  }
0x43: {  	v46 =	vor.u32 $0x42, v3;
	v4 =	vld.idx.msk [tilespmem:v45+s18+$0x0], $0xffff  }
0x44: {  	v47 =	vor.u32 $0x3, v1;
	_ =	sdelay $0x3  }
0x45: {  	[tilespmem:v46+s19+$0x0] =	vst.idx.msk $0xffff, v4  }
0x46: {  	v48 =	vor.u32 $0x3B, v3;
	v4 =	vld.idx.msk [tilespmem:v47+s16+$0x0], $0xffff  }
0x47: {  	v49 =	vor.u32 $0x3, v2;
	_ =	sdelay $0x3  }
0x48: {  	[tilespmem:v48+s19+$0x0] =	vst.idx.msk $0xffff, v4  }
0x49: {  	v50 =	vor.u32 $0x43, v3;
	v4 =	vld.idx.msk [tilespmem:v49+s18+$0x0], $0xffff  }
0x4a: {  	v51 =	vor.u32 $0x4, v1;
	_ =	sdelay $0x3  }
0x4b: {  	[tilespmem:v50+s19+$0x0] =	vst.idx.msk $0xffff, v4  }
0x4c: {  	v52 =	vor.u32 $0x3C, v3;
	v4 =	vld.idx.msk [tilespmem:v51+s16+$0x0], $0xffff  }
0x4d: {  	v53 =	vor.u32 $0x4, v2;
	_ =	sdelay $0x3  }
0x4e: {  	[tilespmem:v52+s19+$0x0] =	vst.idx.msk $0xffff, v4  }
0x4f: {  	v54 =	vor.u32 $0x44, v3;
	v4 =	vld.idx.msk [tilespmem:v53+s18+$0x0], $0xffff  }
0x50: {  	v55 =	vor.u32 $0x5, v1;
	_ =	sdelay $0x3  }
0x51: {  	[tilespmem:v54+s19+$0x0] =	vst.idx.msk $0xffff, v4  }
0x52: {  	v56 =	vor.u32 $0x3D, v3;
	v4 =	vld.idx.msk [tilespmem:v55+s16+$0x0], $0xffff  }
0x53: {  	v57 =	vor.u32 $0x5, v2;
	_ =	sdelay $0x3  }
0x54: {  	[tilespmem:v56+s19+$0x0] =	vst.idx.msk $0xffff, v4  }
0x55: {  	v58 =	vor.u32 $0x45, v3;
	v4 =	vld.idx.msk [tilespmem:v57+s18+$0x0], $0xffff  }
0x56: {  	v59 =	vor.u32 $0x6, v1;
	_ =	sdelay $0x3  }
0x57: {  	[tilespmem:v58+s19+$0x0] =	vst.idx.msk $0xffff, v4  }
0x58: {  	v60 =	vor.u32 $0x3E, v3;
	v4 =	vld.idx.msk [tilespmem:v59+s16+$0x0], $0xffff  }
0x59: {  	v61 =	vor.u32 $0x6, v2;
	_ =	sdelay $0x3  }
0x5a: {  	[tilespmem:v60+s19+$0x0] =	vst.idx.msk $0xffff, v4  }
0x5b: {  	v62 =	vor.u32 $0x46, v3;
	v4 =	vld.idx.msk [tilespmem:v61+s18+$0x0], $0xffff  }
0x5c: {  	v1 =	vor.u32 $0x7, v1;
	_ =	sdelay $0x3  }
0x5d: {  	[tilespmem:v62+s19+$0x0] =	vst.idx.msk $0xffff, v4  }
0x5e: {  	v63 =	vor.u32 $0x3F, v3;
	v1 =	vld.idx.msk [tilespmem:v1+s16+$0x0], $0xffff  }
0x5f: {  	v2 =	vor.u32 $0x7, v2;
	_ =	sdelay $0x3  }
0x60: {  	[tilespmem:v63+s19+$0x0] =	vst.idx.msk $0xffff, v1  }
0x61: {  	s30 =	simm.s32 $0x10;
	v1 =	vor.u32 $0x47, v3;
	v2 =	vld.idx.msk [tilespmem:v2+s18+$0x0], $0xffff  }
.LBB2_3:
0x62: {  	_ =	sdelay $0x3  }
0x63: {  	p0 =	sne.s32 s30, $0x270;
	s28 =	sadd.s32 $0x10, s28;
	s29 =	sadd.s32 $0x10, s29;
	[tilespmem:v1+s19+$0x0] =	vst.idx.msk $0xffff, v2  }
0x64: {  	s31 =	smov.u32 s30;
	s30 =	sadd.s32 $0x10, s30;
	v1 =	vld [tilespmem:s28+$0x0];
	_ =	sdelay $0x4  }
0x65: {  	v2 =	vshll.u32 v1, $0x3;
	_ =	sdelay $0x1  }
0x66: {  	v3 =	vld [tilespmem:s29+$0x0]  }
0x67: {  	v1 =	vmov s31  }
0x68: {  	v1 =	vshll.u32 v1, $0x7  }
0x69: {  	v1 =	vor.u32 v0, v1;
	v4 =	vld.idx.msk [tilespmem:v2+s16+$0x0], $0xffff  }
0x6a: {  	v5 =	vor.u32 $0x38, v1  }
0x6b: {  	v3 =	vshll.u32 v3, $0x3;
	_ =	sdelay $0x3  }
0x6c: {  	[tilespmem:v5+s19+$0x0] =	vst.idx.msk $0xffff, v4  }
0x6d: {  	v4 =	vld.idx.msk [tilespmem:v3+s18+$0x0], $0xffff  }
0x6e: {  	v5 =	vor.u32 $0x40, v1  }
0x6f: {  	v6 =	vor.u32 $0x1, v2;
	_ =	sdelay $0x3  }
0x70: {  	[tilespmem:v5+s19+$0x0] =	vst.idx.msk $0xffff, v4  }
0x71: {  	v4 =	vld.idx.msk [tilespmem:v6+s16+$0x0], $0xffff  }
0x72: {  	v5 =	vor.u32 $0x39, v1  }
0x73: {  	v6 =	vor.u32 $0x1, v3;
	_ =	sdelay $0x3  }
0x74: {  	[tilespmem:v5+s19+$0x0] =	vst.idx.msk $0xffff, v4  }
0x75: {  	v4 =	vld.idx.msk [tilespmem:v6+s18+$0x0], $0xffff  }
0x76: {  	v5 =	vor.u32 $0x41, v1  }
0x77: {  	v6 =	vor.u32 $0x2, v2;
	_ =	sdelay $0x3  }
0x78: {  	[tilespmem:v5+s19+$0x0] =	vst.idx.msk $0xffff, v4  }
0x79: {  	v4 =	vld.idx.msk [tilespmem:v6+s16+$0x0], $0xffff  }
0x7a: {  	v5 =	vor.u32 $0x3A, v1  }
0x7b: {  	v6 =	vor.u32 $0x2, v3;
	_ =	sdelay $0x3  }
0x7c: {  	[tilespmem:v5+s19+$0x0] =	vst.idx.msk $0xffff, v4  }
0x7d: {  	v4 =	vld.idx.msk [tilespmem:v6+s18+$0x0], $0xffff  }
0x7e: {  	v5 =	vor.u32 $0x42, v1  }
0x7f: {  	v6 =	vor.u32 $0x3, v2;
	_ =	sdelay $0x3  }
0x80: {  	[tilespmem:v5+s19+$0x0] =	vst.idx.msk $0xffff, v4  }
0x81: {  	v4 =	vld.idx.msk [tilespmem:v6+s16+$0x0], $0xffff  }
0x82: {  	v5 =	vor.u32 $0x3B, v1  }
0x83: {  	v6 =	vor.u32 $0x3, v3;
	_ =	sdelay $0x3  }
0x84: {  	[tilespmem:v5+s19+$0x0] =	vst.idx.msk $0xffff, v4  }
0x85: {  	v4 =	vld.idx.msk [tilespmem:v6+s18+$0x0], $0xffff  }
0x86: {  	v5 =	vor.u32 $0x43, v1  }
0x87: {  	v6 =	vor.u32 $0x4, v2;
	_ =	sdelay $0x3  }
0x88: {  	[tilespmem:v5+s19+$0x0] =	vst.idx.msk $0xffff, v4  }
0x89: {  	v4 =	vld.idx.msk [tilespmem:v6+s16+$0x0], $0xffff  }
0x8a: {  	v5 =	vor.u32 $0x3C, v1  }
0x8b: {  	v6 =	vor.u32 $0x4, v3;
	_ =	sdelay $0x3  }
0x8c: {  	[tilespmem:v5+s19+$0x0] =	vst.idx.msk $0xffff, v4  }
0x8d: {  	v4 =	vld.idx.msk [tilespmem:v6+s18+$0x0], $0xffff  }
0x8e: {  	v5 =	vor.u32 $0x44, v1  }
0x8f: {  	v6 =	vor.u32 $0x5, v2;
	_ =	sdelay $0x3  }
0x90: {  	[tilespmem:v5+s19+$0x0] =	vst.idx.msk $0xffff, v4  }
0x91: {  	v4 =	vld.idx.msk [tilespmem:v6+s16+$0x0], $0xffff  }
0x92: {  	v5 =	vor.u32 $0x3D, v1  }
0x93: {  	v6 =	vor.u32 $0x5, v3;
	_ =	sdelay $0x3  }
0x94: {  	[tilespmem:v5+s19+$0x0] =	vst.idx.msk $0xffff, v4  }
0x95: {  	v4 =	vld.idx.msk [tilespmem:v6+s18+$0x0], $0xffff  }
0x96: {  	v5 =	vor.u32 $0x45, v1  }
0x97: {  	v6 =	vor.u32 $0x6, v2;
	_ =	sdelay $0x3  }
0x98: {  	[tilespmem:v5+s19+$0x0] =	vst.idx.msk $0xffff, v4  }
0x99: {  	v4 =	vld.idx.msk [tilespmem:v6+s16+$0x0], $0xffff  }
0x9a: {  	v5 =	vor.u32 $0x3E, v1  }
0x9b: {  	v6 =	vor.u32 $0x6, v3;
	_ =	sdelay $0x3  }
0x9c: {  	[tilespmem:v5+s19+$0x0] =	vst.idx.msk $0xffff, v4  }
0x9d: {  	v4 =	vld.idx.msk [tilespmem:v6+s18+$0x0], $0xffff  }
0x9e: {  	v5 =	vor.u32 $0x46, v1  }
0x9f: {  	v2 =	vor.u32 $0x7, v2;
	_ =	sdelay $0x3  }
0xa0: {  	[tilespmem:v5+s19+$0x0] =	vst.idx.msk $0xffff, v4  }
0xa1: {  	v2 =	vld.idx.msk [tilespmem:v2+s16+$0x0], $0xffff  }
0xa2: {  	v4 =	vor.u32 $0x3F, v1  }
0xa3: {  	v3 =	vor.u32 $0x7, v3;
	_ =	sdelay $0x1  }
.Ltmp0:
0xa4: {  	(pc) =	sbr.rel @p0 .LBB2_3-.Ltmp0, $4  }
0xa5: {  	_ = 	snop  }
0xa6: {  	[tilespmem:v4+s19+$0x0] =	vst.idx.msk $0xffff, v2  }
0xa7: {  	v2 =	vld.idx.msk [tilespmem:v3+s18+$0x0], $0xffff  }
0xa8: {  	v1 =	vor.u32 $0x47, v1  }
0xa9: {  	_ =	sdelay $0x1  }
0xaa: {  	s25 =	sadd.s32 $0x1, s25  }
0xab: {  	s26 =	sshll.u32 s26, $0x4;
	p0 =	sne.s32 s25, $0x6  }
.Ltmp1:
0xac: {  	s26 =	sadd.s32 s9, s26;
	[tilespmem:v1+s19+$0x0] =	vst.idx.msk $0xffff, v2;
	(pc) =	sbr.rel @p0 .LBB2_2-.Ltmp1, $4  }
0xad: {  	[hbm4b:s26+s1] =	stream.linear.scatter [tilespmem:s19], [sflag:$0x2], $0x14000, $0x38;
	[tilespmem:$0x17800] =	vst v63  }
0xae: {  	_ =	swait.ge [sflag:s17], $0x14000  }
0xaf: {  	[sflag:s17] =	ssyncset.done $0x0  }
0xb0: {  	[sflag:s17] =	ssyncadd.s32 $0xFFFEC000  }
0xb1: {  	[tilespmem:s21], [sflag:$0x2] =	stream.linear.gather [hbm4b:s11+s1], $0x20, $0x38;
	[tilespmem:$0x17800] =	vst v63  }
0xb2: {  	_ =	swait.ge [sflag:s17], $0x20  }
0xb3: {  	[sflag:s17] =	ssyncset.done $0x0  }
0xb4: {  	[sflag:s17] =	ssyncadd.s32 $0xFFFFFFE0  }
0xb5: {  	[tilespmem:s23], [sflag:$0x1] =	stream.indirect.gather [hbm4b:s2+s22], $0x80, s21, s22, $0xb8;
	[tilespmem:$0x17800] =	vst v63  }
0xb6: {  	_ =	swait.ge [sflag:s20], $0x1000  }
0xb7: {  	[sflag:s20] =	ssyncset.done $0x0  }
0xb8: {  	[sflag:s20] =	ssyncadd.s32 $0xFFFFF000  }
0xb9: {  	[hbm4b:s12+s1] =	stream.linear.scatter [tilespmem:s23], [sflag:$0x2], $0x1000, $0x38;
	[tilespmem:$0x17800] =	vst v63  }
0xba: {  	_ =	swait.ge [sflag:s17], $0x1000  }
0xbb: {  	[sflag:s17] =	ssyncset.done $0x0  }
0xbc: {  	[sflag:s17] =	ssyncadd.s32 $0xFFFFF000  }
0xbd: {  	[tilespmem:s21], [sflag:$0x2] =	stream.linear.gather [hbm4b:s13+s1], $0x20, $0x38;
	[tilespmem:$0x17800] =	vst v63  }
0xbe: {  	_ =	swait.ge [sflag:s17], $0x20  }
0xbf: {  	[sflag:s17] =	ssyncset.done $0x0  }
0xc0: {  	[sflag:s17] =	ssyncadd.s32 $0xFFFFFFE0  }
0xc1: {  	[tilespmem:s23], [sflag:$0x1] =	stream.indirect.gather [hbm4b:s2+s22], $0x80, s21, s22, $0xb8;
	[tilespmem:$0x17800] =	vst v63  }
0xc2: {  	s24 =	sadd.s32 $0x1, s24;
	_ =	swait.ge [sflag:s20], $0x1000  }
0xc3: {  	p0 =	sne.s32 s24, s15;
	[sflag:s20] =	ssyncset.done $0x0  }
.Ltmp2:
0xc4: {  	[sflag:s20] =	ssyncadd.s32 $0xFFFFF000;
	(pc) =	sbr.rel @p0 .LBB2_1-.Ltmp2, $4  }
0xc5: {  	[hbm4b:s14+s1] =	stream.linear.scatter [tilespmem:s23], [sflag:$0x2], $0x1000, $0x38;
	[tilespmem:$0x17800] =	vst v63  }
0xc6: {  	_ =	swait.ge [sflag:s17], $0x1000  }
0xc7: {  	[sflag:s17] =	ssyncset.done $0x0  }
0xc8: {  	[sflag:s17] =	ssyncadd.s32 $0xFFFFF000  }
0xc9: {  	_ =	sfence.sel $0x180000  }
0xca: {  	[bflag:$0x0] =	sbarrier.arrive $0xFFFF  }
0xcb: {  	p0 =	sne.s32 s3, $0x0;
	_ =	strace $0x90000047  }
0xcc: {  	s0 =	sadd.s32 @!p0 $0x100000, s0;
	[bflag:$0x2] =	sbarrier.arrive $0xFFFF  }
0xcd: {  	[sflag:s0] =	ssyncadd.tile.s32 @!p0 $0x1;
	_ =	shalt  }
.Lfunc_end2:
_tile_overlayer_lowered:
.L_overlay_start_2:
0xce: {  	(tag) =	ssettag $0x2  }
0xcf: {  	s0 =	rddreg [dreg:$0x0];
	s2 =	stileid.u32  }
0xd0: {  	s1 =	rddreg [dreg:$0x1];
	p0 =	sne.s32 s2, $0x0  }
0xd1: {  	s3 =	rddreg [dreg:$0x2];
	[bflag:$0x3] =	sbarrier.arrive $0xFFFF;
	s2 =	simm.s32 @!p0 $0x1C02  }
0xd2: {  	[timem:s3], [sflag:s2] =	dma.local @!p0 [hbm:s0], s1  }
0xd3: {  	s0 =	simm.s32 @!p0 $0x2  }
0xd4: {  	_ =	swait.ge @!p0 [sflag:s0], s1  }
0xd5: {  	s1 =	ssub.s32 @!p0 $0x0, s1;
	[sflag:s0] =	ssyncset.done @!p0 $0x0  }
0xd6: {  	[sflag:s0] =	ssyncadd.s32 @!p0 s1  }
0xd7: {  	[bflag:$0x3] =	sbarrier.arrive $0xFFFF  }
0xd8: {  	_ =	shalt  }

</sc_bundles>
